<compile_context>
chip_gen: v7x
topology: tpu7x:2x2x1
jax: 0.10.2.dev20260603
libtpu: 0.0.44.dev20260713+nightly
codegen_flags: <defaults>
</compile_context>

<pallas_src>
import functools

import jax
import jax.numpy as jnp
from jax import lax
from jax.experimental import pallas as pl
from jax.experimental.pallas import tpu as pltpu
from jax.experimental.pallas import tpu_sc as plsc

N = 10000
E = 160000
G = 512
DIN = 16
DE = 16
H = 32
GF = 64
C = 128

NC = 2
NS = 16
NW = NC * NS
EPW = E // NW
CH = 125
NCH = EPW // CH
AW = H + 8
GRP = 8
NGR = NCH // GRP
ROWS = GRP * CH
NP_ = 10240
NPW = NP_ // NS

EB = 2000
NEB = E // EB
BN = 1000
NB = N // BN

def _mesh():
    return plsc.VectorSubcoreMesh(core_axis_name="c", subcore_axis_name="s",
                                  num_cores=NC, num_subcores=NS)


def _gather_body(x_hbm, src_hbm, xs_hbm, idx_v, row_v):
    c = lax.axis_index("c")
    s = lax.axis_index("s")
    w = s * NC + c
    pltpu.sync_copy(src_hbm.at[pl.ds(w * NCH, NCH)], idx_v)

    def body(jj, carry):
        for k in range(GRP):
            pltpu.sync_copy(x_hbm.at[idx_v.at[jj * GRP + k]],
                            row_v.at[pl.ds(k * CH, CH)])
        pltpu.sync_copy(row_v, xs_hbm.at[pl.ds(w * EPW + jj * ROWS, ROWS)])
        return carry

    lax.fori_loop(0, NGR, body, 0)


def _sc_gather(x, src2):
    return pl.kernel(
        _gather_body,
        out_type=jax.ShapeDtypeStruct((E, DIN), jnp.float32),
        mesh=_mesh(),
        scratch_types=[
            pltpu.VMEM((NCH, CH), jnp.int32),
            pltpu.VMEM((ROWS, DIN), jnp.float32),
        ],
        compiler_params=pltpu.CompilerParams(use_tc_tiling_on_sc=False),
    )(x, src2)


def _scatter_body(msg_hbm, dst_hbm, zz_hbm, out_hbm, idx_v, mbuf_v, acc_sh):
    c = lax.axis_index("c")
    s = lax.axis_index("s")
    w = s * NC + c
    pltpu.sync_copy(zz_hbm, acc_sh.at[pl.ds(s * NPW, NPW)])
    plsc.subcore_barrier()
    pltpu.sync_copy(dst_hbm.at[pl.ds(w * NCH, NCH)], idx_v)

    def body(jj, carry):
        pltpu.sync_copy(msg_hbm.at[pl.ds(w * EPW + jj * ROWS, ROWS)], mbuf_v)
        for k in range(GRP):
            pltpu.sync_copy(mbuf_v.at[pl.ds(k * CH, CH)],
                            acc_sh.at[idx_v.at[jj * GRP + k]], add=True)
        return carry

    lax.fori_loop(0, NGR, body, 0)
    plsc.subcore_barrier()
    pltpu.sync_copy(acc_sh.at[pl.ds(s * NPW, NPW)],
                    out_hbm.at[c, pl.ds(s * NPW, NPW)])


def _sc_scatter(msg, dst2, zz):
    return pl.kernel(
        _scatter_body,
        out_type=jax.ShapeDtypeStruct((NC, NP_, AW), jnp.float32),
        mesh=_mesh(),
        scratch_types=[
            pltpu.VMEM((NCH, CH), jnp.int32),
            pltpu.VMEM((ROWS, AW), jnp.float32),
            pltpu.VMEM_SHARED((NP_, AW), jnp.float32),
        ],
        compiler_params=pltpu.CompilerParams(use_tc_tiling_on_sc=False),
    )(msg, dst2, zz)


def _edge_kernel(ea_ref, xs_ref, W1t_ref, b1t_ref, R_ref, W2r_ref, out_ref):
    ea = ea_ref[...]
    xs = xs_ref[...]
    t_tile = jnp.maximum(
        jnp.dot(ea, W1t_ref[...], preferred_element_type=jnp.float32)
        + b1t_ref[...], 0.0)
    xs_rep = jnp.dot(xs, R_ref[...], preferred_element_type=jnp.float32)
    f = (xs_rep * t_tile).astype(jnp.bfloat16)
    msg = jnp.dot(f, W2r_ref[...], preferred_element_type=jnp.float32)
    out_ref[...] = jnp.concatenate(
        [msg, jnp.ones((EB, 1), jnp.float32), jnp.zeros((EB, AW - H - 1), jnp.float32)],
        axis=1)


def _tc_edge(edge_attr, xs, W1t, b1t, R, W2r):
    return pl.pallas_call(
        _edge_kernel,
        grid=(NEB,),
        in_specs=[
            pl.BlockSpec((EB, DE), lambda i: (i, 0)),
            pl.BlockSpec((EB, DIN), lambda i: (i, 0)),
            pl.BlockSpec((DE, DIN * H), lambda i: (0, 0)),
            pl.BlockSpec((1, DIN * H), lambda i: (0, 0)),
            pl.BlockSpec((DIN, DIN * H), lambda i: (0, 0)),
            pl.BlockSpec((DIN * H, H), lambda i: (0, 0)),
        ],
        out_specs=pl.BlockSpec((EB, AW), lambda i: (i, 0)),
        out_shape=jax.ShapeDtypeStruct((E, AW), jnp.float32),
    )(edge_attr, xs, W1t, b1t, R, W2r)


def _node_a_kernel(parts_ref, x_ref, Wr_ref, bc_ref, Wg_ref, bg_ref,
                   h_ref, gate_ref, gmax_ref, sm):
    i = pl.program_id(0)
    p = parts_ref[...]
    agg = p[0, :, :H] + p[1, :, :H]
    cnt = p[0, :, H:H + 1] + p[1, :, H:H + 1]
    aggm = agg / jnp.maximum(cnt, 1.0)
    h = jnp.maximum(
        aggm + jnp.dot(x_ref[...], Wr_ref[...],
                       preferred_element_type=jnp.float32) + bc_ref[...], 0.0)
    h_ref[...] = h
    gate = jnp.dot(h, Wg_ref[...], preferred_element_type=jnp.float32) + bg_ref[...]
    gate_ref[...] = gate
    m = jnp.max(gate)
    prev = jnp.where(i == 0, -jnp.inf, sm[0])
    sm[0] = jnp.maximum(prev, m)

    @pl.when(i == NB - 1)
    def _():
        gmax_ref[...] = jnp.full((1, 1), sm[0], jnp.float32)


def _tc_node_a(parts, x, W_root, bcr, W_gate, bgr):
    return pl.pallas_call(
        _node_a_kernel,
        grid=(NB,),
        in_specs=[
            pl.BlockSpec((NC, BN, AW), lambda i: (0, i, 0)),
            pl.BlockSpec((BN, DIN), lambda i: (i, 0)),
            pl.BlockSpec((DIN, H), lambda i: (0, 0)),
            pl.BlockSpec((1, H), lambda i: (0, 0)),
            pl.BlockSpec((H, 1), lambda i: (0, 0)),
            pl.BlockSpec((1, 1), lambda i: (0, 0)),
        ],
        out_specs=[
            pl.BlockSpec((BN, H), lambda i: (i, 0)),
            pl.BlockSpec((BN, 1), lambda i: (i, 0)),
            pl.BlockSpec((1, 1), lambda i: (0, 0)),
        ],
        out_shape=[
            jax.ShapeDtypeStruct((N, H), jnp.float32),
            jax.ShapeDtypeStruct((N, 1), jnp.float32),
            jax.ShapeDtypeStruct((1, 1), jnp.float32),
        ],
        scratch_shapes=[pltpu.SMEM((1,), jnp.float32)],
    )(parts, x, W_root, bcr, W_gate, bgr)


def _node_b_kernel(h_ref, gate_ref, gmax_ref, br_ref, pf_ref,
                   Wfg_ref, Wfp_ref, Wsp_ref, qs_ref, acc):
    i = pl.program_id(0)

    @pl.when(i == 0)
    def _():
        acc[...] = jnp.zeros((G, H + 1), jnp.float32)

    h = h_ref[...]
    e = jnp.exp(gate_ref[...] - gmax_ref[0, 0])
    v = jnp.concatenate([e * h, e], axis=1)
    oht = (lax.broadcasted_iota(jnp.int32, (G, BN), 0)
           == br_ref[0]).astype(jnp.float32)
    acc[...] += jnp.dot(oht, v, preferred_element_type=jnp.float32)

    @pl.when(i == NB - 1)
    def _():
        a = acc[...]
        den = a[:, H:H + 1]
        safe = jnp.where(den > 0.0, den, 1.0)
        gctx = jnp.where(den > 0.0, a[:, :H] / safe, 0.0)
        q = (jnp.dot(gctx, Wfg_ref[...], preferred_element_type=jnp.float32)
             + jnp.dot(pf_ref[...], Wfp_ref[...], preferred_element_type=jnp.float32))
        s2 = jnp.dot(gctx, Wsp_ref[...], preferred_element_type=jnp.float32)
        qs_ref[...] = jnp.concatenate([q, s2], axis=1)


def _tc_node_b(h, gate, gmax, batch_row, pocket, Wfg, Wfp, W_sp):
    return pl.pallas_call(
        _node_b_kernel,
        grid=(NB,),
        in_specs=[
            pl.BlockSpec((BN, H), lambda i: (i, 0)),
            pl.BlockSpec((BN, 1), lambda i: (i, 0)),
            pl.BlockSpec((1, 1), lambda i: (0, 0)),
            pl.BlockSpec((1, 1, BN), lambda i: (i, 0, 0)),
            pl.BlockSpec((G, GF), lambda i: (0, 0)),
            pl.BlockSpec((H, H), lambda i: (0, 0)),
            pl.BlockSpec((GF, H), lambda i: (0, 0)),
            pl.BlockSpec((H, 1), lambda i: (0, 0)),
        ],
        out_specs=pl.BlockSpec((G, H + 1), lambda i: (0, 0)),
        out_shape=jax.ShapeDtypeStruct((G, H + 1), jnp.float32),
        scratch_shapes=[pltpu.VMEM((G, H + 1), jnp.float32)],
    )(h, gate, gmax, batch_row, pocket, Wfg, Wfp, W_sp)


def _node_c_kernel(h_ref, bc_ref, qs_ref, Wfh_ref, bf_ref, Wnp_ref,
                   bnp_ref, bsp_ref, np_ref, stop_ref):
    oh = (bc_ref[...] == lax.broadcasted_iota(jnp.int32, (BN, G), 1)
          ).astype(jnp.float32)
    ohqs = jnp.dot(oh, qs_ref[...], preferred_element_type=jnp.float32)
    fc = jnp.maximum(
        jnp.dot(h_ref[...], Wfh_ref[...], preferred_element_type=jnp.float32)
        + ohqs[:, :H] + bf_ref[...], 0.0)
    logits = jnp.dot(fc, Wnp_ref[...], preferred_element_type=jnp.float32) + bnp_ref[...]
    m = jnp.max(logits, axis=-1, keepdims=True)
    lse = m + jnp.log(jnp.sum(jnp.exp(logits - m), axis=-1, keepdims=True))
    np_ref[...] = logits - lse
    stop_ref[...] = jax.nn.sigmoid(ohqs[:, H:H + 1] + bsp_ref[...])


def _tc_node_c(h, batch_col, qs, Wfh, bfr, W_np, bnpr, bspr):
    return pl.pallas_call(
        _node_c_kernel,
        grid=(NB,),
        in_specs=[
            pl.BlockSpec((BN, H), lambda i: (i, 0)),
            pl.BlockSpec((BN, 1), lambda i: (i, 0)),
            pl.BlockSpec((G, H + 1), lambda i: (0, 0)),
            pl.BlockSpec((H, H), lambda i: (0, 0)),
            pl.BlockSpec((1, H), lambda i: (0, 0)),
            pl.BlockSpec((H, C), lambda i: (0, 0)),
            pl.BlockSpec((1, C), lambda i: (0, 0)),
            pl.BlockSpec((1, 1), lambda i: (0, 0)),
        ],
        out_specs=[
            pl.BlockSpec((BN, C), lambda i: (i, 0)),
            pl.BlockSpec((BN, 1), lambda i: (i, 0)),
        ],
        out_shape=[
            jax.ShapeDtypeStruct((N, C), jnp.float32),
            jax.ShapeDtypeStruct((N, 1), jnp.float32),
        ],
    )(h, batch_col, qs, Wfh, bfr, W_np, bnpr, bspr)


def kernel(x, edge_index, edge_attr, batch, pocket_features, W1, b1, W2, b2,
           W_root, b_conv, W_gate, b_gate, W_fc1, b_fc1, W_np, b_np,
           W_sp, b_sp):
    src2 = edge_index[0].reshape(NW * NCH, CH)
    dst2 = edge_index[1].reshape(NW * NCH, CH)
    W2r = (W2.reshape(H, DIN, H).transpose(1, 0, 2)
           .reshape(DIN * H, H).astype(jnp.bfloat16))
    W1t = jnp.tile(W1, (1, DIN))
    b1t = jnp.tile(b1.reshape(1, H), (1, DIN))
    R = (jnp.arange(DIN, dtype=jnp.int32)[:, None]
         == (jnp.arange(DIN * H, dtype=jnp.int32)[None, :] // H)
         ).astype(jnp.float32)

    xs = _sc_gather(x, src2)
    msg = _tc_edge(edge_attr, xs, W1t, b1t, R, W2r)
    zz = jnp.zeros((NPW, AW), jnp.float32)
    parts = _sc_scatter(msg, dst2, zz)

    h, gate, gmax = _tc_node_a(parts, x, W_root, b_conv.reshape(1, H),
                               W_gate, b_gate.reshape(1, 1))
    qs = _tc_node_b(h, gate, gmax, batch.reshape(NB, 1, BN), pocket_features,
                    W_fc1[H:2 * H], W_fc1[2 * H:], W_sp)
    node_pred, stop = _tc_node_c(h, batch.reshape(N, 1), qs, W_fc1[:H],
                                 b_fc1.reshape(1, H), W_np,
                                 b_np.reshape(1, C), b_sp.reshape(1, 1))
    return node_pred, stop.reshape(N)

# --- scband reference (transcript-rebuilt; emitter-appended) ---
"""Pipeline reference for scband-molecular-mpnn-24008867185218 (READ-ONLY COPY).

The authoritative reference and input builder live on the scoring server;
editing this copy changes nothing except your own understanding.
"""

import jax, jax.numpy as jnp
import numpy as np

N = 10000
E = 160000
G = 512
DIN = 16
DE = 16
H = 32
GF = 64
C = 128


def _lin(key, fin, fout):
    W = jax.random.normal(key, (fin, fout), dtype=jnp.float32) / np.sqrt(fin)
    b = jnp.zeros((fout,), dtype=jnp.float32)
    return W, b


def setup_inputs(seed: int = 0) -> dict:
    key = jax.random.key(seed)
    ks = jax.random.split(key, 14)
    x = jax.random.normal(ks[0], (N, DIN), dtype=jnp.float32)
    edge_index = jax.random.randint(ks[1], (2, E), 0, N, dtype=jnp.int32)
    edge_attr = jax.random.normal(ks[2], (E, DE), dtype=jnp.float32)
    batch = jnp.sort(jax.random.randint(ks[3], (N,), 0, G, dtype=jnp.int32))
    pocket_features = jax.random.normal(ks[4], (G, GF), dtype=jnp.float32)
    W1, b1 = _lin(ks[5], DE, H)
    W2, b2 = _lin(ks[6], H, H * DIN)
    W_root, b_conv = _lin(ks[7], DIN, H)
    W_gate, b_gate = _lin(ks[8], H, 1)
    W_fc1, b_fc1 = _lin(ks[9], 2 * H + GF, H)
    W_np, b_np = _lin(ks[10], H, C)
    W_sp, b_sp = _lin(ks[11], H, 1)
    return {
        'x': x, 'edge_index': edge_index, 'edge_attr': edge_attr,
        'batch': batch, 'pocket_features': pocket_features,
        'W1': W1, 'b1': b1, 'W2': W2, 'b2': b2,
        'W_root': W_root, 'b_conv': b_conv,
        'W_gate': W_gate, 'b_gate': b_gate,
        'W_fc1': W_fc1, 'b_fc1': b_fc1,
        'W_np': W_np, 'b_np': b_np,
        'W_sp': W_sp, 'b_sp': b_sp,
    }


def reference(x, edge_index, edge_attr, batch, pocket_features,
              W1, b1, W2, b2, W_root, b_conv, W_gate, b_gate,
              W_fc1, b_fc1, W_np, b_np, W_sp, b_sp):
    src = edge_index[0]
    dst = edge_index[1]
    # edge network -> per-edge weight matrices [E, DIN, H]
    ew = jax.nn.relu(edge_attr @ W1 + b1) @ W2 + b2
    ew = ew.reshape(E, DIN, H)
    # NNConv message: x_src (1 x DIN) @ W_e (DIN x H)
    msg = jnp.einsum('ei,eio->eo', x[src], ew)
    # mean aggregation at dst
    agg = jax.ops.segment_sum(msg, dst, num_segments=N)
    cnt = jax.ops.segment_sum(jnp.ones((E,), jnp.float32), dst, num_segments=N)
    agg = agg / jnp.maximum(cnt, 1.0)[:, None]
    h = agg + x @ W_root + b_conv
    h = jax.nn.relu(h)
    # GlobalAttention pooling (per-graph softmax over gate scores)
    gate = h @ W_gate + b_gate  # [N, 1]
    seg_max = jax.lax.stop_gradient(jax.ops.segment_max(gate, batch, num_segments=G))
    e = jnp.exp(gate - seg_max[batch])
    denom = jax.ops.segment_sum(e, batch, num_segments=G)
    attn = e / denom[batch]
    gctx = jax.ops.segment_sum(attn * h, batch, num_segments=G)  # [G, H]
    gctx_n = gctx[batch]  # broadcast back to nodes
    feat = jnp.concatenate([h, gctx_n, pocket_features[batch]], axis=1)
    feat = jax.nn.relu(feat @ W_fc1 + b_fc1)
    node_pred = jax.nn.log_softmax(feat @ W_np + b_np, axis=-1)
    stop = jax.nn.sigmoid(gctx_n @ W_sp + b_sp).squeeze(-1)
    return node_pred, stop

if __name__ == "__main__":
    import jax
    _d = setup_inputs()
    print(jax.jit(kernel)(*tuple(_d.values())))

</pallas_src>

<mosaic_0001>
#map = affine_map<(d0, d1) -> (0, 0)>
module attributes {stable_mosaic.version = 14 : i64} {
  func.func @_gather_body(%arg0: i32, %arg1: i32, %arg2: memref<10000x16xf32, #tpu.memory_space<hbm>>, %arg3: memref<1280x125xi32, #tpu.memory_space<hbm>>, %arg4: memref<160000x16xf32, #tpu.memory_space<hbm>>, %arg5: memref<40x125xi32, #tpu.memory_space<vmem>>, %arg6: memref<1000x16xf32, #tpu.memory_space<vmem>>) attributes {dimension_semantics = [#tpu.dimension_semantics<core_parallel>, #tpu.dimension_semantics<subcore_parallel>], iteration_bounds = array<i64: 2, 16>, scalar_prefetch = 0 : i64, scratch_operands = 2 : i64, tpu.core_type = #tpu.core_type<sc_vector_subcore>, window_params = [{transform_indices = #map}, {transform_indices = #map}, {transform_indices = #map}]} {
    %mul3A = arith.constant 2 : i32
    %mul3A_0 = arith.muli %arg1, %mul3A : i32
    %add3A = arith.addi %mul3A_0, %arg0 : i32
    %mul3A_1 = arith.constant 40 : i32
    %mul3A_2 = arith.muli %add3A, %mul3A_1 : i32
    "tpu.region"() ({
      %run_scoped3A = tpu.sem_alloc : memref<!tpu.dma_semaphore, #tpu.memory_space<semaphore_mem>>
      %dma_start3A = arith.constant 0 : i32
      %dma_start3A_8 = tpu.memref_slice %arg3[%mul3A_2, %dma_start3A] : memref<1280x125xi32, #tpu.memory_space<hbm>> -> memref<40x125xi32, #tpu.memory_space<hbm>>
      %dma_start3A_9 = arith.constant 0 : i32
      %dma_start3A_10 = tpu.memref_slice %arg3[%mul3A_2, %dma_start3A_9] : memref<1280x125xi32, #tpu.memory_space<hbm>> -> memref<40x125xi32, #tpu.memory_space<hbm>>
      tpu.enqueue_dma source(%dma_start3A_10 : memref<40x125xi32, #tpu.memory_space<hbm>>) target(%arg5 : memref<40x125xi32, #tpu.memory_space<vmem>>) target_semaphore(%run_scoped3A : memref<!tpu.dma_semaphore, #tpu.memory_space<semaphore_mem>>)
      %dma_wait3A = arith.constant 0 : i32
      %dma_wait3A_11 = tpu.memref_slice %arg3[%mul3A_2, %dma_wait3A] : memref<1280x125xi32, #tpu.memory_space<hbm>> -> memref<40x125xi32, #tpu.memory_space<hbm>>
      %dma_wait3A_12 = arith.constant 0 : i32
      %dma_wait3A_13 = tpu.memref_slice %arg3[%mul3A_2, %dma_wait3A_12] : memref<1280x125xi32, #tpu.memory_space<hbm>> -> memref<40x125xi32, #tpu.memory_space<hbm>>
      tpu.wait_dma2 semaphore(%run_scoped3A : memref<!tpu.dma_semaphore, #tpu.memory_space<semaphore_mem>>) src(%dma_wait3A_13 : memref<40x125xi32, #tpu.memory_space<hbm>>) dst(%arg5 : memref<40x125xi32, #tpu.memory_space<vmem>>)
      tpu.yield
    }) : () -> ()
    %scan3A = arith.constant 0 : i32
    %scan3A_3 = arith.constant 0 : i32
    %scan3A_4 = arith.constant 5 : i32
    %scan3A_5 = arith.addi %scan3A_3, %scan3A_4 : i32
    %scan3A_6 = arith.constant 1 : i32
    scf.for %scan3A_8 = %scan3A_3 to %scan3A_5 step %scan3A_6  : i32 {
      %mul3A_9 = arith.constant 8 : i32
      %mul3A_10 = arith.muli %scan3A_8, %mul3A_9 : i32
      %add3A_11 = arith.constant 0 : i32
      %add3A_12 = arith.addi %mul3A_10, %add3A_11 : i32
      "tpu.region"() ({
        %run_scoped3A = tpu.sem_alloc : memref<!tpu.dma_semaphore, #tpu.memory_space<semaphore_mem>>
        %dma_start3A = arith.constant 0 : i32
        %dma_start3A_46 = arith.constant 0 : i32
        %dma_start3A_47 = tpu.memref_slice %arg6[%dma_start3A, %dma_start3A_46] : memref<1000x16xf32, #tpu.memory_space<vmem>> -> memref<125x16xf32, #tpu.memory_space<vmem>>
        %dma_start3A_48 = arith.constant 0 : i32
        %dma_start3A_49 = tpu.memref_slice %arg5[%add3A_12, %dma_start3A_48] : memref<40x125xi32, #tpu.memory_space<vmem>> -> memref<1x125xi32, #tpu.memory_space<vmem>>
        %dma_start3A_50 = tpu.memref_squeeze %dma_start3A_49 : memref<1x125xi32, #tpu.memory_space<vmem>> -> memref<125xi32, #tpu.memory_space<vmem>>
        %dma_start3A_51 = arith.constant 0 : i32
        %dma_start3A_52 = arith.constant 0 : i32
        %dma_start3A_53 = tpu.memref_slice %arg2[%dma_start3A_51, %dma_start3A_52] : memref<10000x16xf32, #tpu.memory_space<hbm>> -> memref<10000x16xf32, #tpu.memory_space<hbm>>
        tpu.enqueue_indirect_dma source(%dma_start3A_53 : memref<10000x16xf32, #tpu.memory_space<hbm>>) target(%dma_start3A_47 : memref<125x16xf32, #tpu.memory_space<vmem>>) offsets(%dma_start3A_50 : memref<125xi32, #tpu.memory_space<vmem>>) semaphore(%run_scoped3A : memref<!tpu.dma_semaphore, #tpu.memory_space<semaphore_mem>>)
        %dma_wait3A = arith.constant 0 : i32
        %dma_wait3A_54 = arith.constant 0 : i32
        %dma_wait3A_55 = tpu.memref_slice %arg6[%dma_wait3A, %dma_wait3A_54] : memref<1000x16xf32, #tpu.memory_space<vmem>> -> memref<125x16xf32, #tpu.memory_space<vmem>>
        %dma_wait3A_56 = arith.constant 0 : i32
        %dma_wait3A_57 = tpu.memref_slice %arg5[%add3A_12, %dma_wait3A_56] : memref<40x125xi32, #tpu.memory_space<vmem>> -> memref<1x125xi32, #tpu.memory_space<vmem>>
        %dma_wait3A_58 = tpu.memref_squeeze %dma_wait3A_57 : memref<1x125xi32, #tpu.memory_space<vmem>> -> memref<125xi32, #tpu.memory_space<vmem>>
        %dma_wait3A_59 = arith.constant 0 : i32
        %dma_wait3A_60 = arith.constant 0 : i32
        %dma_wait3A_61 = tpu.memref_slice %arg2[%dma_wait3A_59, %dma_wait3A_60] : memref<10000x16xf32, #tpu.memory_space<hbm>> -> memref<10000x16xf32, #tpu.memory_space<hbm>>
        tpu.wait_indirect_dma semaphore(%run_scoped3A : memref<!tpu.dma_semaphore, #tpu.memory_space<semaphore_mem>>) src(%dma_wait3A_61 : memref<10000x16xf32, #tpu.memory_space<hbm>>) dst(%dma_wait3A_55 : memref<125x16xf32, #tpu.memory_space<vmem>>)
        tpu.yield
      }) : () -> ()
      %mul3A_13 = arith.constant 8 : i32
      %mul3A_14 = arith.muli %scan3A_8, %mul3A_13 : i32
      %add3A_15 = arith.constant 1 : i32
      %add3A_16 = arith.addi %mul3A_14, %add3A_15 : i32
      "tpu.region"() ({
        %run_scoped3A = tpu.sem_alloc : memref<!tpu.dma_semaphore, #tpu.memory_space<semaphore_mem>>
        %dma_start3A = arith.constant 125 : i32
        %dma_start3A_46 = arith.constant 0 : i32
        %dma_start3A_47 = tpu.memref_slice %arg6[%dma_start3A, %dma_start3A_46] : memref<1000x16xf32, #tpu.memory_space<vmem>> -> memref<125x16xf32, #tpu.memory_space<vmem>>
        %dma_start3A_48 = arith.constant 0 : i32
        %dma_start3A_49 = tpu.memref_slice %arg5[%add3A_16, %dma_start3A_48] : memref<40x125xi32, #tpu.memory_space<vmem>> -> memref<1x125xi32, #tpu.memory_space<vmem>>
        %dma_start3A_50 = tpu.memref_squeeze %dma_start3A_49 : memref<1x125xi32, #tpu.memory_space<vmem>> -> memref<125xi32, #tpu.memory_space<vmem>>
        %dma_start3A_51 = arith.constant 0 : i32
        %dma_start3A_52 = arith.constant 0 : i32
        %dma_start3A_53 = tpu.memref_slice %arg2[%dma_start3A_51, %dma_start3A_52] : memref<10000x16xf32, #tpu.memory_space<hbm>> -> memref<10000x16xf32, #tpu.memory_space<hbm>>
        tpu.enqueue_indirect_dma source(%dma_start3A_53 : memref<10000x16xf32, #tpu.memory_space<hbm>>) target(%dma_start3A_47 : memref<125x16xf32, #tpu.memory_space<vmem>>) offsets(%dma_start3A_50 : memref<125xi32, #tpu.memory_space<vmem>>) semaphore(%run_scoped3A : memref<!tpu.dma_semaphore, #tpu.memory_space<semaphore_mem>>)
        %dma_wait3A = arith.constant 125 : i32
        %dma_wait3A_54 = arith.constant 0 : i32
        %dma_wait3A_55 = tpu.memref_slice %arg6[%dma_wait3A, %dma_wait3A_54] : memref<1000x16xf32, #tpu.memory_space<vmem>> -> memref<125x16xf32, #tpu.memory_space<vmem>>
        %dma_wait3A_56 = arith.constant 0 : i32
        %dma_wait3A_57 = tpu.memref_slice %arg5[%add3A_16, %dma_wait3A_56] : memref<40x125xi32, #tpu.memory_space<vmem>> -> memref<1x125xi32, #tpu.memory_space<vmem>>
        %dma_wait3A_58 = tpu.memref_squeeze %dma_wait3A_57 : memref<1x125xi32, #tpu.memory_space<vmem>> -> memref<125xi32, #tpu.memory_space<vmem>>
        %dma_wait3A_59 = arith.constant 0 : i32
        %dma_wait3A_60 = arith.constant 0 : i32
        %dma_wait3A_61 = tpu.memref_slice %arg2[%dma_wait3A_59, %dma_wait3A_60] : memref<10000x16xf32, #tpu.memory_space<hbm>> -> memref<10000x16xf32, #tpu.memory_space<hbm>>
        tpu.wait_indirect_dma semaphore(%run_scoped3A : memref<!tpu.dma_semaphore, #tpu.memory_space<semaphore_mem>>) src(%dma_wait3A_61 : memref<10000x16xf32, #tpu.memory_space<hbm>>) dst(%dma_wait3A_55 : memref<125x16xf32, #tpu.memory_space<vmem>>)
        tpu.yield
      }) : () -> ()
      %mul3A_17 = arith.constant 8 : i32
      %mul3A_18 = arith.muli %scan3A_8, %mul3A_17 : i32
      %add3A_19 = arith.constant 2 : i32
      %add3A_20 = arith.addi %mul3A_18, %add3A_19 : i32
      "tpu.region"() ({
        %run_scoped3A = tpu.sem_alloc : memref<!tpu.dma_semaphore, #tpu.memory_space<semaphore_mem>>
        %dma_start3A = arith.constant 250 : i32
        %dma_start3A_46 = arith.constant 0 : i32
        %dma_start3A_47 = tpu.memref_slice %arg6[%dma_start3A, %dma_start3A_46] : memref<1000x16xf32, #tpu.memory_space<vmem>> -> memref<125x16xf32, #tpu.memory_space<vmem>>
        %dma_start3A_48 = arith.constant 0 : i32
        %dma_start3A_49 = tpu.memref_slice %arg5[%add3A_20, %dma_start3A_48] : memref<40x125xi32, #tpu.memory_space<vmem>> -> memref<1x125xi32, #tpu.memory_space<vmem>>
        %dma_start3A_50 = tpu.memref_squeeze %dma_start3A_49 : memref<1x125xi32, #tpu.memory_space<vmem>> -> memref<125xi32, #tpu.memory_space<vmem>>
        %dma_start3A_51 = arith.constant 0 : i32
        %dma_start3A_52 = arith.constant 0 : i32
        %dma_start3A_53 = tpu.memref_slice %arg2[%dma_start3A_51, %dma_start3A_52] : memref<10000x16xf32, #tpu.memory_space<hbm>> -> memref<10000x16xf32, #tpu.memory_space<hbm>>
        tpu.enqueue_indirect_dma source(%dma_start3A_53 : memref<10000x16xf32, #tpu.memory_space<hbm>>) target(%dma_start3A_47 : memref<125x16xf32, #tpu.memory_space<vmem>>) offsets(%dma_start3A_50 : memref<125xi32, #tpu.memory_space<vmem>>) semaphore(%run_scoped3A : memref<!tpu.dma_semaphore, #tpu.memory_space<semaphore_mem>>)
        %dma_wait3A = arith.constant 250 : i32
        %dma_wait3A_54 = arith.constant 0 : i32
        %dma_wait3A_55 = tpu.memref_slice %arg6[%dma_wait3A, %dma_wait3A_54] : memref<1000x16xf32, #tpu.memory_space<vmem>> -> memref<125x16xf32, #tpu.memory_space<vmem>>
        %dma_wait3A_56 = arith.constant 0 : i32
        %dma_wait3A_57 = tpu.memref_slice %arg5[%add3A_20, %dma_wait3A_56] : memref<40x125xi32, #tpu.memory_space<vmem>> -> memref<1x125xi32, #tpu.memory_space<vmem>>
        %dma_wait3A_58 = tpu.memref_squeeze %dma_wait3A_57 : memref<1x125xi32, #tpu.memory_space<vmem>> -> memref<125xi32, #tpu.memory_space<vmem>>
        %dma_wait3A_59 = arith.constant 0 : i32
        %dma_wait3A_60 = arith.constant 0 : i32
        %dma_wait3A_61 = tpu.memref_slice %arg2[%dma_wait3A_59, %dma_wait3A_60] : memref<10000x16xf32, #tpu.memory_space<hbm>> -> memref<10000x16xf32, #tpu.memory_space<hbm>>
        tpu.wait_indirect_dma semaphore(%run_scoped3A : memref<!tpu.dma_semaphore, #tpu.memory_space<semaphore_mem>>) src(%dma_wait3A_61 : memref<10000x16xf32, #tpu.memory_space<hbm>>) dst(%dma_wait3A_55 : memref<125x16xf32, #tpu.memory_space<vmem>>)
        tpu.yield
      }) : () -> ()
      %mul3A_21 = arith.constant 8 : i32
      %mul3A_22 = arith.muli %scan3A_8, %mul3A_21 : i32
      %add3A_23 = arith.constant 3 : i32
      %add3A_24 = arith.addi %mul3A_22, %add3A_23 : i32
      "tpu.region"() ({
        %run_scoped3A = tpu.sem_alloc : memref<!tpu.dma_semaphore, #tpu.memory_space<semaphore_mem>>
        %dma_start3A = arith.constant 375 : i32
        %dma_start3A_46 = arith.constant 0 : i32
        %dma_start3A_47 = tpu.memref_slice %arg6[%dma_start3A, %dma_start3A_46] : memref<1000x16xf32, #tpu.memory_space<vmem>> -> memref<125x16xf32, #tpu.memory_space<vmem>>
        %dma_start3A_48 = arith.constant 0 : i32
        %dma_start3A_49 = tpu.memref_slice %arg5[%add3A_24, %dma_start3A_48] : memref<40x125xi32, #tpu.memory_space<vmem>> -> memref<1x125xi32, #tpu.memory_space<vmem>>
        %dma_start3A_50 = tpu.memref_squeeze %dma_start3A_49 : memref<1x125xi32, #tpu.memory_space<vmem>> -> memref<125xi32, #tpu.memory_space<vmem>>
        %dma_start3A_51 = arith.constant 0 : i32
        %dma_start3A_52 = arith.constant 0 : i32
        %dma_start3A_53 = tpu.memref_slice %arg2[%dma_start3A_51, %dma_start3A_52] : memref<10000x16xf32, #tpu.memory_space<hbm>> -> memref<10000x16xf32, #tpu.memory_space<hbm>>
        tpu.enqueue_indirect_dma source(%dma_start3A_53 : memref<10000x16xf32, #tpu.memory_space<hbm>>) target(%dma_start3A_47 : memref<125x16xf32, #tpu.memory_space<vmem>>) offsets(%dma_start3A_50 : memref<125xi32, #tpu.memory_space<vmem>>) semaphore(%run_scoped3A : memref<!tpu.dma_semaphore, #tpu.memory_space<semaphore_mem>>)
        %dma_wait3A = arith.constant 375 : i32
        %dma_wait3A_54 = arith.constant 0 : i32
        %dma_wait3A_55 = tpu.memref_slice %arg6[%dma_wait3A, %dma_wait3A_54] : memref<1000x16xf32, #tpu.memory_space<vmem>> -> memref<125x16xf32, #tpu.memory_space<vmem>>
        %dma_wait3A_56 = arith.constant 0 : i32
        %dma_wait3A_57 = tpu.memref_slice %arg5[%add3A_24, %dma_wait3A_56] : memref<40x125xi32, #tpu.memory_space<vmem>> -> memref<1x125xi32, #tpu.memory_space<vmem>>
        %dma_wait3A_58 = tpu.memref_squeeze %dma_wait3A_57 : memref<1x125xi32, #tpu.memory_space<vmem>> -> memref<125xi32, #tpu.memory_space<vmem>>
        %dma_wait3A_59 = arith.constant 0 : i32
        %dma_wait3A_60 = arith.constant 0 : i32
        %dma_wait3A_61 = tpu.memref_slice %arg2[%dma_wait3A_59, %dma_wait3A_60] : memref<10000x16xf32, #tpu.memory_space<hbm>> -> memref<10000x16xf32, #tpu.memory_space<hbm>>
        tpu.wait_indirect_dma semaphore(%run_scoped3A : memref<!tpu.dma_semaphore, #tpu.memory_space<semaphore_mem>>) src(%dma_wait3A_61 : memref<10000x16xf32, #tpu.memory_space<hbm>>) dst(%dma_wait3A_55 : memref<125x16xf32, #tpu.memory_space<vmem>>)
        tpu.yield
      }) : () -> ()
      %mul3A_25 = arith.constant 8 : i32
      %mul3A_26 = arith.muli %scan3A_8, %mul3A_25 : i32
      %add3A_27 = arith.constant 4 : i32
      %add3A_28 = arith.addi %mul3A_26, %add3A_27 : i32
      "tpu.region"() ({
        %run_scoped3A = tpu.sem_alloc : memref<!tpu.dma_semaphore, #tpu.memory_space<semaphore_mem>>
        %dma_start3A = arith.constant 500 : i32
        %dma_start3A_46 = arith.constant 0 : i32
        %dma_start3A_47 = tpu.memref_slice %arg6[%dma_start3A, %dma_start3A_46] : memref<1000x16xf32, #tpu.memory_space<vmem>> -> memref<125x16xf32, #tpu.memory_space<vmem>>
        %dma_start3A_48 = arith.constant 0 : i32
        %dma_start3A_49 = tpu.memref_slice %arg5[%add3A_28, %dma_start3A_48] : memref<40x125xi32, #tpu.memory_space<vmem>> -> memref<1x125xi32, #tpu.memory_space<vmem>>
        %dma_start3A_50 = tpu.memref_squeeze %dma_start3A_49 : memref<1x125xi32, #tpu.memory_space<vmem>> -> memref<125xi32, #tpu.memory_space<vmem>>
        %dma_start3A_51 = arith.constant 0 : i32
        %dma_start3A_52 = arith.constant 0 : i32
        %dma_start3A_53 = tpu.memref_slice %arg2[%dma_start3A_51, %dma_start3A_52] : memref<10000x16xf32, #tpu.memory_space<hbm>> -> memref<10000x16xf32, #tpu.memory_space<hbm>>
        tpu.enqueue_indirect_dma source(%dma_start3A_53 : memref<10000x16xf32, #tpu.memory_space<hbm>>) target(%dma_start3A_47 : memref<125x16xf32, #tpu.memory_space<vmem>>) offsets(%dma_start3A_50 : memref<125xi32, #tpu.memory_space<vmem>>) semaphore(%run_scoped3A : memref<!tpu.dma_semaphore, #tpu.memory_space<semaphore_mem>>)
        %dma_wait3A = arith.constant 500 : i32
        %dma_wait3A_54 = arith.constant 0 : i32
        %dma_wait3A_55 = tpu.memref_slice %arg6[%dma_wait3A, %dma_wait3A_54] : memref<1000x16xf32, #tpu.memory_space<vmem>> -> memref<125x16xf32, #tpu.memory_space<vmem>>
        %dma_wait3A_56 = arith.constant 0 : i32
        %dma_wait3A_57 = tpu.memref_slice %arg5[%add3A_28, %dma_wait3A_56] : memref<40x125xi32, #tpu.memory_space<vmem>> -> memref<1x125xi32, #tpu.memory_space<vmem>>
        %dma_wait3A_58 = tpu.memref_squeeze %dma_wait3A_57 : memref<1x125xi32, #tpu.memory_space<vmem>> -> memref<125xi32, #tpu.memory_space<vmem>>
        %dma_wait3A_59 = arith.constant 0 : i32
        %dma_wait3A_60 = arith.constant 0 : i32
        %dma_wait3A_61 = tpu.memref_slice %arg2[%dma_wait3A_59, %dma_wait3A_60] : memref<10000x16xf32, #tpu.memory_space<hbm>> -> memref<10000x16xf32, #tpu.memory_space<hbm>>
        tpu.wait_indirect_dma semaphore(%run_scoped3A : memref<!tpu.dma_semaphore, #tpu.memory_space<semaphore_mem>>) src(%dma_wait3A_61 : memref<10000x16xf32, #tpu.memory_space<hbm>>) dst(%dma_wait3A_55 : memref<125x16xf32, #tpu.memory_space<vmem>>)
        tpu.yield
      }) : () -> ()
      %mul3A_29 = arith.constant 8 : i32
      %mul3A_30 = arith.muli %scan3A_8, %mul3A_29 : i32
      %add3A_31 = arith.constant 5 : i32
      %add3A_32 = arith.addi %mul3A_30, %add3A_31 : i32
      "tpu.region"() ({
        %run_scoped3A = tpu.sem_alloc : memref<!tpu.dma_semaphore, #tpu.memory_space<semaphore_mem>>
        %dma_start3A = arith.constant 625 : i32
        %dma_start3A_46 = arith.constant 0 : i32
        %dma_start3A_47 = tpu.memref_slice %arg6[%dma_start3A, %dma_start3A_46] : memref<1000x16xf32, #tpu.memory_space<vmem>> -> memref<125x16xf32, #tpu.memory_space<vmem>>
        %dma_start3A_48 = arith.constant 0 : i32
        %dma_start3A_49 = tpu.memref_slice %arg5[%add3A_32, %dma_start3A_48] : memref<40x125xi32, #tpu.memory_space<vmem>> -> memref<1x125xi32, #tpu.memory_space<vmem>>
        %dma_start3A_50 = tpu.memref_squeeze %dma_start3A_49 : memref<1x125xi32, #tpu.memory_space<vmem>> -> memref<125xi32, #tpu.memory_space<vmem>>
        %dma_start3A_51 = arith.constant 0 : i32
        %dma_start3A_52 = arith.constant 0 : i32
        %dma_start3A_53 = tpu.memref_slice %arg2[%dma_start3A_51, %dma_start3A_52] : memref<10000x16xf32, #tpu.memory_space<hbm>> -> memref<10000x16xf32, #tpu.memory_space<hbm>>
        tpu.enqueue_indirect_dma source(%dma_start3A_53 : memref<10000x16xf32, #tpu.memory_space<hbm>>) target(%dma_start3A_47 : memref<125x16xf32, #tpu.memory_space<vmem>>) offsets(%dma_start3A_50 : memref<125xi32, #tpu.memory_space<vmem>>) semaphore(%run_scoped3A : memref<!tpu.dma_semaphore, #tpu.memory_space<semaphore_mem>>)
        %dma_wait3A = arith.constant 625 : i32
        %dma_wait3A_54 = arith.constant 0 : i32
        %dma_wait3A_55 = tpu.memref_slice %arg6[%dma_wait3A, %dma_wait3A_54] : memref<1000x16xf32, #tpu.memory_space<vmem>> -> memref<125x16xf32, #tpu.memory_space<vmem>>
        %dma_wait3A_56 = arith.constant 0 : i32
        %dma_wait3A_57 = tpu.memref_slice %arg5[%add3A_32, %dma_wait3A_56] : memref<40x125xi32, #tpu.memory_space<vmem>> -> memref<1x125xi32, #tpu.memory_space<vmem>>
        %dma_wait3A_58 = tpu.memref_squeeze %dma_wait3A_57 : memref<1x125xi32, #tpu.memory_space<vmem>> -> memref<125xi32, #tpu.memory_space<vmem>>
        %dma_wait3A_59 = arith.constant 0 : i32
        %dma_wait3A_60 = arith.constant 0 : i32
        %dma_wait3A_61 = tpu.memref_slice %arg2[%dma_wait3A_59, %dma_wait3A_60] : memref<10000x16xf32, #tpu.memory_space<hbm>> -> memref<10000x16xf32, #tpu.memory_space<hbm>>
        tpu.wait_indirect_dma semaphore(%run_scoped3A : memref<!tpu.dma_semaphore, #tpu.memory_space<semaphore_mem>>) src(%dma_wait3A_61 : memref<10000x16xf32, #tpu.memory_space<hbm>>) dst(%dma_wait3A_55 : memref<125x16xf32, #tpu.memory_space<vmem>>)
        tpu.yield
      }) : () -> ()
      %mul3A_33 = arith.constant 8 : i32
      %mul3A_34 = arith.muli %scan3A_8, %mul3A_33 : i32
      %add3A_35 = arith.constant 6 : i32
      %add3A_36 = arith.addi %mul3A_34, %add3A_35 : i32
      "tpu.region"() ({
        %run_scoped3A = tpu.sem_alloc : memref<!tpu.dma_semaphore, #tpu.memory_space<semaphore_mem>>
        %dma_start3A = arith.constant 750 : i32
        %dma_start3A_46 = arith.constant 0 : i32
        %dma_start3A_47 = tpu.memref_slice %arg6[%dma_start3A, %dma_start3A_46] : memref<1000x16xf32, #tpu.memory_space<vmem>> -> memref<125x16xf32, #tpu.memory_space<vmem>>
        %dma_start3A_48 = arith.constant 0 : i32
        %dma_start3A_49 = tpu.memref_slice %arg5[%add3A_36, %dma_start3A_48] : memref<40x125xi32, #tpu.memory_space<vmem>> -> memref<1x125xi32, #tpu.memory_space<vmem>>
        %dma_start3A_50 = tpu.memref_squeeze %dma_start3A_49 : memref<1x125xi32, #tpu.memory_space<vmem>> -> memref<125xi32, #tpu.memory_space<vmem>>
        %dma_start3A_51 = arith.constant 0 : i32
        %dma_start3A_52 = arith.constant 0 : i32
        %dma_start3A_53 = tpu.memref_slice %arg2[%dma_start3A_51, %dma_start3A_52] : memref<10000x16xf32, #tpu.memory_space<hbm>> -> memref<10000x16xf32, #tpu.memory_space<hbm>>
        tpu.enqueue_indirect_dma source(%dma_start3A_53 : memref<10000x16xf32, #tpu.memory_space<hbm>>) target(%dma_start3A_47 : memref<125x16xf32, #tpu.memory_space<vmem>>) offsets(%dma_start3A_50 : memref<125xi32, #tpu.memory_space<vmem>>) semaphore(%run_scoped3A : memref<!tpu.dma_semaphore, #tpu.memory_space<semaphore_mem>>)
        %dma_wait3A = arith.constant 750 : i32
        %dma_wait3A_54 = arith.constant 0 : i32
        %dma_wait3A_55 = tpu.memref_slice %arg6[%dma_wait3A, %dma_wait3A_54] : memref<1000x16xf32, #tpu.memory_space<vmem>> -> memref<125x16xf32, #tpu.memory_space<vmem>>
        %dma_wait3A_56 = arith.constant 0 : i32
        %dma_wait3A_57 = tpu.memref_slice %arg5[%add3A_36, %dma_wait3A_56] : memref<40x125xi32, #tpu.memory_space<vmem>> -> memref<1x125xi32, #tpu.memory_space<vmem>>
        %dma_wait3A_58 = tpu.memref_squeeze %dma_wait3A_57 : memref<1x125xi32, #tpu.memory_space<vmem>> -> memref<125xi32, #tpu.memory_space<vmem>>
        %dma_wait3A_59 = arith.constant 0 : i32
        %dma_wait3A_60 = arith.constant 0 : i32
        %dma_wait3A_61 = tpu.memref_slice %arg2[%dma_wait3A_59, %dma_wait3A_60] : memref<10000x16xf32, #tpu.memory_space<hbm>> -> memref<10000x16xf32, #tpu.memory_space<hbm>>
        tpu.wait_indirect_dma semaphore(%run_scoped3A : memref<!tpu.dma_semaphore, #tpu.memory_space<semaphore_mem>>) src(%dma_wait3A_61 : memref<10000x16xf32, #tpu.memory_space<hbm>>) dst(%dma_wait3A_55 : memref<125x16xf32, #tpu.memory_space<vmem>>)
        tpu.yield
      }) : () -> ()
      %mul3A_37 = arith.constant 8 : i32
      %mul3A_38 = arith.muli %scan3A_8, %mul3A_37 : i32
      %add3A_39 = arith.constant 7 : i32
      %add3A_40 = arith.addi %mul3A_38, %add3A_39 : i32
      "tpu.region"() ({
        %run_scoped3A = tpu.sem_alloc : memref<!tpu.dma_semaphore, #tpu.memory_space<semaphore_mem>>
        %dma_start3A = arith.constant 875 : i32
        %dma_start3A_46 = arith.constant 0 : i32
        %dma_start3A_47 = tpu.memref_slice %arg6[%dma_start3A, %dma_start3A_46] : memref<1000x16xf32, #tpu.memory_space<vmem>> -> memref<125x16xf32, #tpu.memory_space<vmem>>
        %dma_start3A_48 = arith.constant 0 : i32
        %dma_start3A_49 = tpu.memref_slice %arg5[%add3A_40, %dma_start3A_48] : memref<40x125xi32, #tpu.memory_space<vmem>> -> memref<1x125xi32, #tpu.memory_space<vmem>>
        %dma_start3A_50 = tpu.memref_squeeze %dma_start3A_49 : memref<1x125xi32, #tpu.memory_space<vmem>> -> memref<125xi32, #tpu.memory_space<vmem>>
        %dma_start3A_51 = arith.constant 0 : i32
        %dma_start3A_52 = arith.constant 0 : i32
        %dma_start3A_53 = tpu.memref_slice %arg2[%dma_start3A_51, %dma_start3A_52] : memref<10000x16xf32, #tpu.memory_space<hbm>> -> memref<10000x16xf32, #tpu.memory_space<hbm>>
        tpu.enqueue_indirect_dma source(%dma_start3A_53 : memref<10000x16xf32, #tpu.memory_space<hbm>>) target(%dma_start3A_47 : memref<125x16xf32, #tpu.memory_space<vmem>>) offsets(%dma_start3A_50 : memref<125xi32, #tpu.memory_space<vmem>>) semaphore(%run_scoped3A : memref<!tpu.dma_semaphore, #tpu.memory_space<semaphore_mem>>)
        %dma_wait3A = arith.constant 875 : i32
        %dma_wait3A_54 = arith.constant 0 : i32
        %dma_wait3A_55 = tpu.memref_slice %arg6[%dma_wait3A, %dma_wait3A_54] : memref<1000x16xf32, #tpu.memory_space<vmem>> -> memref<125x16xf32, #tpu.memory_space<vmem>>
        %dma_wait3A_56 = arith.constant 0 : i32
        %dma_wait3A_57 = tpu.memref_slice %arg5[%add3A_40, %dma_wait3A_56] : memref<40x125xi32, #tpu.memory_space<vmem>> -> memref<1x125xi32, #tpu.memory_space<vmem>>
        %dma_wait3A_58 = tpu.memref_squeeze %dma_wait3A_57 : memref<1x125xi32, #tpu.memory_space<vmem>> -> memref<125xi32, #tpu.memory_space<vmem>>
        %dma_wait3A_59 = arith.constant 0 : i32
        %dma_wait3A_60 = arith.constant 0 : i32
        %dma_wait3A_61 = tpu.memref_slice %arg2[%dma_wait3A_59, %dma_wait3A_60] : memref<10000x16xf32, #tpu.memory_space<hbm>> -> memref<10000x16xf32, #tpu.memory_space<hbm>>
        tpu.wait_indirect_dma semaphore(%run_scoped3A : memref<!tpu.dma_semaphore, #tpu.memory_space<semaphore_mem>>) src(%dma_wait3A_61 : memref<10000x16xf32, #tpu.memory_space<hbm>>) dst(%dma_wait3A_55 : memref<125x16xf32, #tpu.memory_space<vmem>>)
        tpu.yield
      }) : () -> ()
      %mul3A_41 = arith.constant 5000 : i32
      %mul3A_42 = arith.muli %add3A, %mul3A_41 : i32
      %mul3A_43 = arith.constant 1000 : i32
      %mul3A_44 = arith.muli %scan3A_8, %mul3A_43 : i32
      %add3A_45 = arith.addi %mul3A_42, %mul3A_44 : i32
      "tpu.region"() ({
        %run_scoped3A = tpu.sem_alloc : memref<!tpu.dma_semaphore, #tpu.memory_space<semaphore_mem>>
        %dma_start3A = arith.constant 0 : i32
        %dma_start3A_46 = tpu.memref_slice %arg4[%add3A_45, %dma_start3A] : memref<160000x16xf32, #tpu.memory_space<hbm>> -> memref<1000x16xf32, #tpu.memory_space<hbm>>
        %dma_start3A_47 = arith.constant 0 : i32
        %dma_start3A_48 = tpu.memref_slice %arg4[%add3A_45, %dma_start3A_47] : memref<160000x16xf32, #tpu.memory_space<hbm>> -> memref<1000x16xf32, #tpu.memory_space<hbm>>
        tpu.enqueue_dma source(%arg6 : memref<1000x16xf32, #tpu.memory_space<vmem>>) target(%dma_start3A_48 : memref<1000x16xf32, #tpu.memory_space<hbm>>) target_semaphore(%run_scoped3A : memref<!tpu.dma_semaphore, #tpu.memory_space<semaphore_mem>>)
        %dma_wait3A = arith.constant 0 : i32
        %dma_wait3A_49 = tpu.memref_slice %arg4[%add3A_45, %dma_wait3A] : memref<160000x16xf32, #tpu.memory_space<hbm>> -> memref<1000x16xf32, #tpu.memory_space<hbm>>
        %dma_wait3A_50 = arith.constant 0 : i32
        %dma_wait3A_51 = tpu.memref_slice %arg4[%add3A_45, %dma_wait3A_50] : memref<160000x16xf32, #tpu.memory_space<hbm>> -> memref<1000x16xf32, #tpu.memory_space<hbm>>
        tpu.wait_dma2 semaphore(%run_scoped3A : memref<!tpu.dma_semaphore, #tpu.memory_space<semaphore_mem>>) src(%arg6 : memref<1000x16xf32, #tpu.memory_space<vmem>>) dst(%dma_wait3A_51 : memref<1000x16xf32, #tpu.memory_space<hbm>>)
        tpu.yield
      }) : () -> ()
    }
    %scan3A_7 = arith.constant 5 : i32
    return
  }
}

#map = affine_map<(d0, d1) -> (0, 0)>
#map1 = affine_map<(d0, d1) -> (0, 0, 0)>
module attributes {stable_mosaic.version = 14 : i64} {
  func.func @_scatter_body(%arg0: i32, %arg1: i32, %arg2: memref<160000x40xf32, #tpu.memory_space<hbm>>, %arg3: memref<1280x125xi32, #tpu.memory_space<hbm>>, %arg4: memref<640x40xf32, #tpu.memory_space<hbm>>, %arg5: memref<2x10240x40xf32, #tpu.memory_space<hbm>>, %arg6: memref<40x125xi32, #tpu.memory_space<vmem>>, %arg7: memref<1000x40xf32, #tpu.memory_space<vmem>>, %arg8: memref<10240x40xf32, #tpu.memory_space<vmem_shared>>) attributes {dimension_semantics = [#tpu.dimension_semantics<core_parallel>, #tpu.dimension_semantics<subcore_parallel>], iteration_bounds = array<i64: 2, 16>, scalar_prefetch = 0 : i64, scratch_operands = 3 : i64, tpu.core_type = #tpu.core_type<sc_vector_subcore>, window_params = [{transform_indices = #map}, {transform_indices = #map}, {transform_indices = #map}, {transform_indices = #map1}]} {
    %mul3A = arith.constant 2 : i32
    %mul3A_0 = arith.muli %arg1, %mul3A : i32
    %add3A = arith.addi %mul3A_0, %arg0 : i32
    %mul3A_1 = arith.constant 640 : i32
    %mul3A_2 = arith.muli %arg1, %mul3A_1 : i32
    "tpu.region"() ({
      %run_scoped3A = tpu.sem_alloc : memref<!tpu.dma_semaphore, #tpu.memory_space<semaphore_mem>>
      %dma_start3A = arith.constant 0 : i32
      %dma_start3A_15 = tpu.memref_slice %arg8[%mul3A_2, %dma_start3A] : memref<10240x40xf32, #tpu.memory_space<vmem_shared>> -> memref<640x40xf32, #tpu.memory_space<vmem_shared>>
      tpu.enqueue_dma source(%arg4 : memref<640x40xf32, #tpu.memory_space<hbm>>) target(%dma_start3A_15 : memref<640x40xf32, #tpu.memory_space<vmem_shared>>) target_semaphore(%run_scoped3A : memref<!tpu.dma_semaphore, #tpu.memory_space<semaphore_mem>>)
      %dma_wait3A = arith.constant 0 : i32
      %dma_wait3A_16 = tpu.memref_slice %arg8[%mul3A_2, %dma_wait3A] : memref<10240x40xf32, #tpu.memory_space<vmem_shared>> -> memref<640x40xf32, #tpu.memory_space<vmem_shared>>
      tpu.wait_dma2 semaphore(%run_scoped3A : memref<!tpu.dma_semaphore, #tpu.memory_space<semaphore_mem>>) src(%arg4 : memref<640x40xf32, #tpu.memory_space<hbm>>) dst(%dma_wait3A_16 : memref<640x40xf32, #tpu.memory_space<vmem_shared>>)
      tpu.yield
    }) : () -> ()
    %barrier3A = arith.constant 0 : index
    tpu.barrier barrier_id(%barrier3A)
    %mul3A_3 = arith.constant 40 : i32
    %mul3A_4 = arith.muli %add3A, %mul3A_3 : i32
    "tpu.region"() ({
      %run_scoped3A = tpu.sem_alloc : memref<!tpu.dma_semaphore, #tpu.memory_space<semaphore_mem>>
      %dma_start3A = arith.constant 0 : i32
      %dma_start3A_15 = tpu.memref_slice %arg3[%mul3A_4, %dma_start3A] : memref<1280x125xi32, #tpu.memory_space<hbm>> -> memref<40x125xi32, #tpu.memory_space<hbm>>
      %dma_start3A_16 = arith.constant 0 : i32
      %dma_start3A_17 = tpu.memref_slice %arg3[%mul3A_4, %dma_start3A_16] : memref<1280x125xi32, #tpu.memory_space<hbm>> -> memref<40x125xi32, #tpu.memory_space<hbm>>
      tpu.enqueue_dma source(%dma_start3A_17 : memref<40x125xi32, #tpu.memory_space<hbm>>) target(%arg6 : memref<40x125xi32, #tpu.memory_space<vmem>>) target_semaphore(%run_scoped3A : memref<!tpu.dma_semaphore, #tpu.memory_space<semaphore_mem>>)
      %dma_wait3A = arith.constant 0 : i32
      %dma_wait3A_18 = tpu.memref_slice %arg3[%mul3A_4, %dma_wait3A] : memref<1280x125xi32, #tpu.memory_space<hbm>> -> memref<40x125xi32, #tpu.memory_space<hbm>>
      %dma_wait3A_19 = arith.constant 0 : i32
      %dma_wait3A_20 = tpu.memref_slice %arg3[%mul3A_4, %dma_wait3A_19] : memref<1280x125xi32, #tpu.memory_space<hbm>> -> memref<40x125xi32, #tpu.memory_space<hbm>>
      tpu.wait_dma2 semaphore(%run_scoped3A : memref<!tpu.dma_semaphore, #tpu.memory_space<semaphore_mem>>) src(%dma_wait3A_20 : memref<40x125xi32, #tpu.memory_space<hbm>>) dst(%arg6 : memref<40x125xi32, #tpu.memory_space<vmem>>)
      tpu.yield
    }) : () -> ()
    %scan3A = arith.constant 0 : i32
    %scan3A_5 = arith.constant 0 : i32
    %scan3A_6 = arith.constant 5 : i32
    %scan3A_7 = arith.addi %scan3A_5, %scan3A_6 : i32
    %scan3A_8 = arith.constant 1 : i32
    scf.for %scan3A_15 = %scan3A_5 to %scan3A_7 step %scan3A_8  : i32 {
      %mul3A_16 = arith.constant 5000 : i32
      %mul3A_17 = arith.muli %add3A, %mul3A_16 : i32
      %mul3A_18 = arith.constant 1000 : i32
      %mul3A_19 = arith.muli %scan3A_15, %mul3A_18 : i32
      %add3A_20 = arith.addi %mul3A_17, %mul3A_19 : i32
      "tpu.region"() ({
        %run_scoped3A = tpu.sem_alloc : memref<!tpu.dma_semaphore, #tpu.memory_space<semaphore_mem>>
        %dma_start3A = arith.constant 0 : i32
        %dma_start3A_53 = tpu.memref_slice %arg2[%add3A_20, %dma_start3A] : memref<160000x40xf32, #tpu.memory_space<hbm>> -> memref<1000x40xf32, #tpu.memory_space<hbm>>
        %dma_start3A_54 = arith.constant 0 : i32
        %dma_start3A_55 = tpu.memref_slice %arg2[%add3A_20, %dma_start3A_54] : memref<160000x40xf32, #tpu.memory_space<hbm>> -> memref<1000x40xf32, #tpu.memory_space<hbm>>
        tpu.enqueue_dma source(%dma_start3A_55 : memref<1000x40xf32, #tpu.memory_space<hbm>>) target(%arg7 : memref<1000x40xf32, #tpu.memory_space<vmem>>) target_semaphore(%run_scoped3A : memref<!tpu.dma_semaphore, #tpu.memory_space<semaphore_mem>>)
        %dma_wait3A = arith.constant 0 : i32
        %dma_wait3A_56 = tpu.memref_slice %arg2[%add3A_20, %dma_wait3A] : memref<160000x40xf32, #tpu.memory_space<hbm>> -> memref<1000x40xf32, #tpu.memory_space<hbm>>
        %dma_wait3A_57 = arith.constant 0 : i32
        %dma_wait3A_58 = tpu.memref_slice %arg2[%add3A_20, %dma_wait3A_57] : memref<160000x40xf32, #tpu.memory_space<hbm>> -> memref<1000x40xf32, #tpu.memory_space<hbm>>
        tpu.wait_dma2 semaphore(%run_scoped3A : memref<!tpu.dma_semaphore, #tpu.memory_space<semaphore_mem>>) src(%dma_wait3A_58 : memref<1000x40xf32, #tpu.memory_space<hbm>>) dst(%arg7 : memref<1000x40xf32, #tpu.memory_space<vmem>>)
        tpu.yield
      }) : () -> ()
      %mul3A_21 = arith.constant 8 : i32
      %mul3A_22 = arith.muli %scan3A_15, %mul3A_21 : i32
      %add3A_23 = arith.constant 0 : i32
      %add3A_24 = arith.addi %mul3A_22, %add3A_23 : i32
      "tpu.region"() ({
        %run_scoped3A = tpu.sem_alloc : memref<!tpu.dma_semaphore, #tpu.memory_space<semaphore_mem>>
        %dma_start3A = arith.constant 0 : i32
        %dma_start3A_53 = arith.constant 0 : i32
        %dma_start3A_54 = tpu.memref_slice %arg7[%dma_start3A, %dma_start3A_53] : memref<1000x40xf32, #tpu.memory_space<vmem>> -> memref<125x40xf32, #tpu.memory_space<vmem>>
        %dma_start3A_55 = arith.constant 0 : i32
        %dma_start3A_56 = tpu.memref_slice %arg6[%add3A_24, %dma_start3A_55] : memref<40x125xi32, #tpu.memory_space<vmem>> -> memref<1x125xi32, #tpu.memory_space<vmem>>
        %dma_start3A_57 = tpu.memref_squeeze %dma_start3A_56 : memref<1x125xi32, #tpu.memory_space<vmem>> -> memref<125xi32, #tpu.memory_space<vmem>>
        %dma_start3A_58 = arith.constant 0 : i32
        %dma_start3A_59 = arith.constant 0 : i32
        %dma_start3A_60 = tpu.memref_slice %arg8[%dma_start3A_58, %dma_start3A_59] : memref<10240x40xf32, #tpu.memory_space<vmem_shared>> -> memref<10240x40xf32, #tpu.memory_space<vmem_shared>>
        tpu.enqueue_indirect_dma source(%dma_start3A_54 : memref<125x40xf32, #tpu.memory_space<vmem>>) target(%dma_start3A_60 : memref<10240x40xf32, #tpu.memory_space<vmem_shared>>) offsets(%dma_start3A_57 : memref<125xi32, #tpu.memory_space<vmem>>) semaphore(%run_scoped3A : memref<!tpu.dma_semaphore, #tpu.memory_space<semaphore_mem>>) {add = true}
        %dma_wait3A = arith.constant 0 : i32
        %dma_wait3A_61 = arith.constant 0 : i32
        %dma_wait3A_62 = tpu.memref_slice %arg7[%dma_wait3A, %dma_wait3A_61] : memref<1000x40xf32, #tpu.memory_space<vmem>> -> memref<125x40xf32, #tpu.memory_space<vmem>>
        %dma_wait3A_63 = arith.constant 0 : i32
        %dma_wait3A_64 = tpu.memref_slice %arg6[%add3A_24, %dma_wait3A_63] : memref<40x125xi32, #tpu.memory_space<vmem>> -> memref<1x125xi32, #tpu.memory_space<vmem>>
        %dma_wait3A_65 = tpu.memref_squeeze %dma_wait3A_64 : memref<1x125xi32, #tpu.memory_space<vmem>> -> memref<125xi32, #tpu.memory_space<vmem>>
        %dma_wait3A_66 = arith.constant 0 : i32
        %dma_wait3A_67 = arith.constant 0 : i32
        %dma_wait3A_68 = tpu.memref_slice %arg8[%dma_wait3A_66, %dma_wait3A_67] : memref<10240x40xf32, #tpu.memory_space<vmem_shared>> -> memref<10240x40xf32, #tpu.memory_space<vmem_shared>>
        tpu.wait_indirect_dma semaphore(%run_scoped3A : memref<!tpu.dma_semaphore, #tpu.memory_space<semaphore_mem>>) src(%dma_wait3A_62 : memref<125x40xf32, #tpu.memory_space<vmem>>) dst(%dma_wait3A_68 : memref<10240x40xf32, #tpu.memory_space<vmem_shared>>)
        tpu.yield
      }) : () -> ()
      %mul3A_25 = arith.constant 8 : i32
      %mul3A_26 = arith.muli %scan3A_15, %mul3A_25 : i32
      %add3A_27 = arith.constant 1 : i32
      %add3A_28 = arith.addi %mul3A_26, %add3A_27 : i32
      "tpu.region"() ({
        %run_scoped3A = tpu.sem_alloc : memref<!tpu.dma_semaphore, #tpu.memory_space<semaphore_mem>>
        %dma_start3A = arith.constant 125 : i32
        %dma_start3A_53 = arith.constant 0 : i32
        %dma_start3A_54 = tpu.memref_slice %arg7[%dma_start3A, %dma_start3A_53] : memref<1000x40xf32, #tpu.memory_space<vmem>> -> memref<125x40xf32, #tpu.memory_space<vmem>>
        %dma_start3A_55 = arith.constant 0 : i32
        %dma_start3A_56 = tpu.memref_slice %arg6[%add3A_28, %dma_start3A_55] : memref<40x125xi32, #tpu.memory_space<vmem>> -> memref<1x125xi32, #tpu.memory_space<vmem>>
        %dma_start3A_57 = tpu.memref_squeeze %dma_start3A_56 : memref<1x125xi32, #tpu.memory_space<vmem>> -> memref<125xi32, #tpu.memory_space<vmem>>
        %dma_start3A_58 = arith.constant 0 : i32
        %dma_start3A_59 = arith.constant 0 : i32
        %dma_start3A_60 = tpu.memref_slice %arg8[%dma_start3A_58, %dma_start3A_59] : memref<10240x40xf32, #tpu.memory_space<vmem_shared>> -> memref<10240x40xf32, #tpu.memory_space<vmem_shared>>
        tpu.enqueue_indirect_dma source(%dma_start3A_54 : memref<125x40xf32, #tpu.memory_space<vmem>>) target(%dma_start3A_60 : memref<10240x40xf32, #tpu.memory_space<vmem_shared>>) offsets(%dma_start3A_57 : memref<125xi32, #tpu.memory_space<vmem>>) semaphore(%run_scoped3A : memref<!tpu.dma_semaphore, #tpu.memory_space<semaphore_mem>>) {add = true}
        %dma_wait3A = arith.constant 125 : i32
        %dma_wait3A_61 = arith.constant 0 : i32
        %dma_wait3A_62 = tpu.memref_slice %arg7[%dma_wait3A, %dma_wait3A_61] : memref<1000x40xf32, #tpu.memory_space<vmem>> -> memref<125x40xf32, #tpu.memory_space<vmem>>
        %dma_wait3A_63 = arith.constant 0 : i32
        %dma_wait3A_64 = tpu.memref_slice %arg6[%add3A_28, %dma_wait3A_63] : memref<40x125xi32, #tpu.memory_space<vmem>> -> memref<1x125xi32, #tpu.memory_space<vmem>>
        %dma_wait3A_65 = tpu.memref_squeeze %dma_wait3A_64 : memref<1x125xi32, #tpu.memory_space<vmem>> -> memref<125xi32, #tpu.memory_space<vmem>>
        %dma_wait3A_66 = arith.constant 0 : i32
        %dma_wait3A_67 = arith.constant 0 : i32
        %dma_wait3A_68 = tpu.memref_slice %arg8[%dma_wait3A_66, %dma_wait3A_67] : memref<10240x40xf32, #tpu.memory_space<vmem_shared>> -> memref<10240x40xf32, #tpu.memory_space<vmem_shared>>
        tpu.wait_indirect_dma semaphore(%run_scoped3A : memref<!tpu.dma_semaphore, #tpu.memory_space<semaphore_mem>>) src(%dma_wait3A_62 : memref<125x40xf32, #tpu.memory_space<vmem>>) dst(%dma_wait3A_68 : memref<10240x40xf32, #tpu.memory_space<vmem_shared>>)
        tpu.yield
      }) : () -> ()
      %mul3A_29 = arith.constant 8 : i32
      %mul3A_30 = arith.muli %scan3A_15, %mul3A_29 : i32
      %add3A_31 = arith.constant 2 : i32
      %add3A_32 = arith.addi %mul3A_30, %add3A_31 : i32
      "tpu.region"() ({
        %run_scoped3A = tpu.sem_alloc : memref<!tpu.dma_semaphore, #tpu.memory_space<semaphore_mem>>
        %dma_start3A = arith.constant 250 : i32
        %dma_start3A_53 = arith.constant 0 : i32
        %dma_start3A_54 = tpu.memref_slice %arg7[%dma_start3A, %dma_start3A_53] : memref<1000x40xf32, #tpu.memory_space<vmem>> -> memref<125x40xf32, #tpu.memory_space<vmem>>
        %dma_start3A_55 = arith.constant 0 : i32
        %dma_start3A_56 = tpu.memref_slice %arg6[%add3A_32, %dma_start3A_55] : memref<40x125xi32, #tpu.memory_space<vmem>> -> memref<1x125xi32, #tpu.memory_space<vmem>>
        %dma_start3A_57 = tpu.memref_squeeze %dma_start3A_56 : memref<1x125xi32, #tpu.memory_space<vmem>> -> memref<125xi32, #tpu.memory_space<vmem>>
        %dma_start3A_58 = arith.constant 0 : i32
        %dma_start3A_59 = arith.constant 0 : i32
        %dma_start3A_60 = tpu.memref_slice %arg8[%dma_start3A_58, %dma_start3A_59] : memref<10240x40xf32, #tpu.memory_space<vmem_shared>> -> memref<10240x40xf32, #tpu.memory_space<vmem_shared>>
        tpu.enqueue_indirect_dma source(%dma_start3A_54 : memref<125x40xf32, #tpu.memory_space<vmem>>) target(%dma_start3A_60 : memref<10240x40xf32, #tpu.memory_space<vmem_shared>>) offsets(%dma_start3A_57 : memref<125xi32, #tpu.memory_space<vmem>>) semaphore(%run_scoped3A : memref<!tpu.dma_semaphore, #tpu.memory_space<semaphore_mem>>) {add = true}
        %dma_wait3A = arith.constant 250 : i32
        %dma_wait3A_61 = arith.constant 0 : i32
        %dma_wait3A_62 = tpu.memref_slice %arg7[%dma_wait3A, %dma_wait3A_61] : memref<1000x40xf32, #tpu.memory_space<vmem>> -> memref<125x40xf32, #tpu.memory_space<vmem>>
        %dma_wait3A_63 = arith.constant 0 : i32
        %dma_wait3A_64 = tpu.memref_slice %arg6[%add3A_32, %dma_wait3A_63] : memref<40x125xi32, #tpu.memory_space<vmem>> -> memref<1x125xi32, #tpu.memory_space<vmem>>
        %dma_wait3A_65 = tpu.memref_squeeze %dma_wait3A_64 : memref<1x125xi32, #tpu.memory_space<vmem>> -> memref<125xi32, #tpu.memory_space<vmem>>
        %dma_wait3A_66 = arith.constant 0 : i32
        %dma_wait3A_67 = arith.constant 0 : i32
        %dma_wait3A_68 = tpu.memref_slice %arg8[%dma_wait3A_66, %dma_wait3A_67] : memref<10240x40xf32, #tpu.memory_space<vmem_shared>> -> memref<10240x40xf32, #tpu.memory_space<vmem_shared>>
        tpu.wait_indirect_dma semaphore(%run_scoped3A : memref<!tpu.dma_semaphore, #tpu.memory_space<semaphore_mem>>) src(%dma_wait3A_62 : memref<125x40xf32, #tpu.memory_space<vmem>>) dst(%dma_wait3A_68 : memref<10240x40xf32, #tpu.memory_space<vmem_shared>>)
        tpu.yield
      }) : () -> ()
      %mul3A_33 = arith.constant 8 : i32
      %mul3A_34 = arith.muli %scan3A_15, %mul3A_33 : i32
      %add3A_35 = arith.constant 3 : i32
      %add3A_36 = arith.addi %mul3A_34, %add3A_35 : i32
      "tpu.region"() ({
        %run_scoped3A = tpu.sem_alloc : memref<!tpu.dma_semaphore, #tpu.memory_space<semaphore_mem>>
        %dma_start3A = arith.constant 375 : i32
        %dma_start3A_53 = arith.constant 0 : i32
        %dma_start3A_54 = tpu.memref_slice %arg7[%dma_start3A, %dma_start3A_53] : memref<1000x40xf32, #tpu.memory_space<vmem>> -> memref<125x40xf32, #tpu.memory_space<vmem>>
        %dma_start3A_55 = arith.constant 0 : i32
        %dma_start3A_56 = tpu.memref_slice %arg6[%add3A_36, %dma_start3A_55] : memref<40x125xi32, #tpu.memory_space<vmem>> -> memref<1x125xi32, #tpu.memory_space<vmem>>
        %dma_start3A_57 = tpu.memref_squeeze %dma_start3A_56 : memref<1x125xi32, #tpu.memory_space<vmem>> -> memref<125xi32, #tpu.memory_space<vmem>>
        %dma_start3A_58 = arith.constant 0 : i32
        %dma_start3A_59 = arith.constant 0 : i32
        %dma_start3A_60 = tpu.memref_slice %arg8[%dma_start3A_58, %dma_start3A_59] : memref<10240x40xf32, #tpu.memory_space<vmem_shared>> -> memref<10240x40xf32, #tpu.memory_space<vmem_shared>>
        tpu.enqueue_indirect_dma source(%dma_start3A_54 : memref<125x40xf32, #tpu.memory_space<vmem>>) target(%dma_start3A_60 : memref<10240x40xf32, #tpu.memory_space<vmem_shared>>) offsets(%dma_start3A_57 : memref<125xi32, #tpu.memory_space<vmem>>) semaphore(%run_scoped3A : memref<!tpu.dma_semaphore, #tpu.memory_space<semaphore_mem>>) {add = true}
        %dma_wait3A = arith.constant 375 : i32
        %dma_wait3A_61 = arith.constant 0 : i32
        %dma_wait3A_62 = tpu.memref_slice %arg7[%dma_wait3A, %dma_wait3A_61] : memref<1000x40xf32, #tpu.memory_space<vmem>> -> memref<125x40xf32, #tpu.memory_space<vmem>>
        %dma_wait3A_63 = arith.constant 0 : i32
        %dma_wait3A_64 = tpu.memref_slice %arg6[%add3A_36, %dma_wait3A_63] : memref<40x125xi32, #tpu.memory_space<vmem>> -> memref<1x125xi32, #tpu.memory_space<vmem>>
        %dma_wait3A_65 = tpu.memref_squeeze %dma_wait3A_64 : memref<1x125xi32, #tpu.memory_space<vmem>> -> memref<125xi32, #tpu.memory_space<vmem>>
        %dma_wait3A_66 = arith.constant 0 : i32
        %dma_wait3A_67 = arith.constant 0 : i32
        %dma_wait3A_68 = tpu.memref_slice %arg8[%dma_wait3A_66, %dma_wait3A_67] : memref<10240x40xf32, #tpu.memory_space<vmem_shared>> -> memref<10240x40xf32, #tpu.memory_space<vmem_shared>>
        tpu.wait_indirect_dma semaphore(%run_scoped3A : memref<!tpu.dma_semaphore, #tpu.memory_space<semaphore_mem>>) src(%dma_wait3A_62 : memref<125x40xf32, #tpu.memory_space<vmem>>) dst(%dma_wait3A_68 : memref<10240x40xf32, #tpu.memory_space<vmem_shared>>)
        tpu.yield
      }) : () -> ()
      %mul3A_37 = arith.constant 8 : i32
      %mul3A_38 = arith.muli %scan3A_15, %mul3A_37 : i32
      %add3A_39 = arith.constant 4 : i32
      %add3A_40 = arith.addi %mul3A_38, %add3A_39 : i32
      "tpu.region"() ({
        %run_scoped3A = tpu.sem_alloc : memref<!tpu.dma_semaphore, #tpu.memory_space<semaphore_mem>>
        %dma_start3A = arith.constant 500 : i32
        %dma_start3A_53 = arith.constant 0 : i32
        %dma_start3A_54 = tpu.memref_slice %arg7[%dma_start3A, %dma_start3A_53] : memref<1000x40xf32, #tpu.memory_space<vmem>> -> memref<125x40xf32, #tpu.memory_space<vmem>>
        %dma_start3A_55 = arith.constant 0 : i32
        %dma_start3A_56 = tpu.memref_slice %arg6[%add3A_40, %dma_start3A_55] : memref<40x125xi32, #tpu.memory_space<vmem>> -> memref<1x125xi32, #tpu.memory_space<vmem>>
        %dma_start3A_57 = tpu.memref_squeeze %dma_start3A_56 : memref<1x125xi32, #tpu.memory_space<vmem>> -> memref<125xi32, #tpu.memory_space<vmem>>
        %dma_start3A_58 = arith.constant 0 : i32
        %dma_start3A_59 = arith.constant 0 : i32
        %dma_start3A_60 = tpu.memref_slice %arg8[%dma_start3A_58, %dma_start3A_59] : memref<10240x40xf32, #tpu.memory_space<vmem_shared>> -> memref<10240x40xf32, #tpu.memory_space<vmem_shared>>
        tpu.enqueue_indirect_dma source(%dma_start3A_54 : memref<125x40xf32, #tpu.memory_space<vmem>>) target(%dma_start3A_60 : memref<10240x40xf32, #tpu.memory_space<vmem_shared>>) offsets(%dma_start3A_57 : memref<125xi32, #tpu.memory_space<vmem>>) semaphore(%run_scoped3A : memref<!tpu.dma_semaphore, #tpu.memory_space<semaphore_mem>>) {add = true}
        %dma_wait3A = arith.constant 500 : i32
        %dma_wait3A_61 = arith.constant 0 : i32
        %dma_wait3A_62 = tpu.memref_slice %arg7[%dma_wait3A, %dma_wait3A_61] : memref<1000x40xf32, #tpu.memory_space<vmem>> -> memref<125x40xf32, #tpu.memory_space<vmem>>
        %dma_wait3A_63 = arith.constant 0 : i32
        %dma_wait3A_64 = tpu.memref_slice %arg6[%add3A_40, %dma_wait3A_63] : memref<40x125xi32, #tpu.memory_space<vmem>> -> memref<1x125xi32, #tpu.memory_space<vmem>>
        %dma_wait3A_65 = tpu.memref_squeeze %dma_wait3A_64 : memref<1x125xi32, #tpu.memory_space<vmem>> -> memref<125xi32, #tpu.memory_space<vmem>>
        %dma_wait3A_66 = arith.constant 0 : i32
        %dma_wait3A_67 = arith.constant 0 : i32
        %dma_wait3A_68 = tpu.memref_slice %arg8[%dma_wait3A_66, %dma_wait3A_67] : memref<10240x40xf32, #tpu.memory_space<vmem_shared>> -> memref<10240x40xf32, #tpu.memory_space<vmem_shared>>
        tpu.wait_indirect_dma semaphore(%run_scoped3A : memref<!tpu.dma_semaphore, #tpu.memory_space<semaphore_mem>>) src(%dma_wait3A_62 : memref<125x40xf32, #tpu.memory_space<vmem>>) dst(%dma_wait3A_68 : memref<10240x40xf32, #tpu.memory_space<vmem_shared>>)
        tpu.yield
      }) : () -> ()
      %mul3A_41 = arith.constant 8 : i32
      %mul3A_42 = arith.muli %scan3A_15, %mul3A_41 : i32
      %add3A_43 = arith.constant 5 : i32
      %add3A_44 = arith.addi %mul3A_42, %add3A_43 : i32
      "tpu.region"() ({
        %run_scoped3A = tpu.sem_alloc : memref<!tpu.dma_semaphore, #tpu.memory_space<semaphore_mem>>
        %dma_start3A = arith.constant 625 : i32
        %dma_start3A_53 = arith.constant 0 : i32
        %dma_start3A_54 = tpu.memref_slice %arg7[%dma_start3A, %dma_start3A_53] : memref<1000x40xf32, #tpu.memory_space<vmem>> -> memref<125x40xf32, #tpu.memory_space<vmem>>
        %dma_start3A_55 = arith.constant 0 : i32
        %dma_start3A_56 = tpu.memref_slice %arg6[%add3A_44, %dma_start3A_55] : memref<40x125xi32, #tpu.memory_space<vmem>> -> memref<1x125xi32, #tpu.memory_space<vmem>>
        %dma_start3A_57 = tpu.memref_squeeze %dma_start3A_56 : memref<1x125xi32, #tpu.memory_space<vmem>> -> memref<125xi32, #tpu.memory_space<vmem>>
        %dma_start3A_58 = arith.constant 0 : i32
        %dma_start3A_59 = arith.constant 0 : i32
        %dma_start3A_60 = tpu.memref_slice %arg8[%dma_start3A_58, %dma_start3A_59] : memref<10240x40xf32, #tpu.memory_space<vmem_shared>> -> memref<10240x40xf32, #tpu.memory_space<vmem_shared>>
        tpu.enqueue_indirect_dma source(%dma_start3A_54 : memref<125x40xf32, #tpu.memory_space<vmem>>) target(%dma_start3A_60 : memref<10240x40xf32, #tpu.memory_space<vmem_shared>>) offsets(%dma_start3A_57 : memref<125xi32, #tpu.memory_space<vmem>>) semaphore(%run_scoped3A : memref<!tpu.dma_semaphore, #tpu.memory_space<semaphore_mem>>) {add = true}
        %dma_wait3A = arith.constant 625 : i32
        %dma_wait3A_61 = arith.constant 0 : i32
        %dma_wait3A_62 = tpu.memref_slice %arg7[%dma_wait3A, %dma_wait3A_61] : memref<1000x40xf32, #tpu.memory_space<vmem>> -> memref<125x40xf32, #tpu.memory_space<vmem>>
        %dma_wait3A_63 = arith.constant 0 : i32
        %dma_wait3A_64 = tpu.memref_slice %arg6[%add3A_44, %dma_wait3A_63] : memref<40x125xi32, #tpu.memory_space<vmem>> -> memref<1x125xi32, #tpu.memory_space<vmem>>
        %dma_wait3A_65 = tpu.memref_squeeze %dma_wait3A_64 : memref<1x125xi32, #tpu.memory_space<vmem>> -> memref<125xi32, #tpu.memory_space<vmem>>
        %dma_wait3A_66 = arith.constant 0 : i32
        %dma_wait3A_67 = arith.constant 0 : i32
        %dma_wait3A_68 = tpu.memref_slice %arg8[%dma_wait3A_66, %dma_wait3A_67] : memref<10240x40xf32, #tpu.memory_space<vmem_shared>> -> memref<10240x40xf32, #tpu.memory_space<vmem_shared>>
        tpu.wait_indirect_dma semaphore(%run_scoped3A : memref<!tpu.dma_semaphore, #tpu.memory_space<semaphore_mem>>) src(%dma_wait3A_62 : memref<125x40xf32, #tpu.memory_space<vmem>>) dst(%dma_wait3A_68 : memref<10240x40xf32, #tpu.memory_space<vmem_shared>>)
        tpu.yield
      }) : () -> ()
      %mul3A_45 = arith.constant 8 : i32
      %mul3A_46 = arith.muli %scan3A_15, %mul3A_45 : i32
      %add3A_47 = arith.constant 6 : i32
      %add3A_48 = arith.addi %mul3A_46, %add3A_47 : i32
      "tpu.region"() ({
        %run_scoped3A = tpu.sem_alloc : memref<!tpu.dma_semaphore, #tpu.memory_space<semaphore_mem>>
        %dma_start3A = arith.constant 750 : i32
        %dma_start3A_53 = arith.constant 0 : i32
        %dma_start3A_54 = tpu.memref_slice %arg7[%dma_start3A, %dma_start3A_53] : memref<1000x40xf32, #tpu.memory_space<vmem>> -> memref<125x40xf32, #tpu.memory_space<vmem>>
        %dma_start3A_55 = arith.constant 0 : i32
        %dma_start3A_56 = tpu.memref_slice %arg6[%add3A_48, %dma_start3A_55] : memref<40x125xi32, #tpu.memory_space<vmem>> -> memref<1x125xi32, #tpu.memory_space<vmem>>
        %dma_start3A_57 = tpu.memref_squeeze %dma_start3A_56 : memref<1x125xi32, #tpu.memory_space<vmem>> -> memref<125xi32, #tpu.memory_space<vmem>>
        %dma_start3A_58 = arith.constant 0 : i32
        %dma_start3A_59 = arith.constant 0 : i32
        %dma_start3A_60 = tpu.memref_slice %arg8[%dma_start3A_58, %dma_start3A_59] : memref<10240x40xf32, #tpu.memory_space<vmem_shared>> -> memref<10240x40xf32, #tpu.memory_space<vmem_shared>>
        tpu.enqueue_indirect_dma source(%dma_start3A_54 : memref<125x40xf32, #tpu.memory_space<vmem>>) target(%dma_start3A_60 : memref<10240x40xf32, #tpu.memory_space<vmem_shared>>) offsets(%dma_start3A_57 : memref<125xi32, #tpu.memory_space<vmem>>) semaphore(%run_scoped3A : memref<!tpu.dma_semaphore, #tpu.memory_space<semaphore_mem>>) {add = true}
        %dma_wait3A = arith.constant 750 : i32
        %dma_wait3A_61 = arith.constant 0 : i32
        %dma_wait3A_62 = tpu.memref_slice %arg7[%dma_wait3A, %dma_wait3A_61] : memref<1000x40xf32, #tpu.memory_space<vmem>> -> memref<125x40xf32, #tpu.memory_space<vmem>>
        %dma_wait3A_63 = arith.constant 0 : i32
        %dma_wait3A_64 = tpu.memref_slice %arg6[%add3A_48, %dma_wait3A_63] : memref<40x125xi32, #tpu.memory_space<vmem>> -> memref<1x125xi32, #tpu.memory_space<vmem>>
        %dma_wait3A_65 = tpu.memref_squeeze %dma_wait3A_64 : memref<1x125xi32, #tpu.memory_space<vmem>> -> memref<125xi32, #tpu.memory_space<vmem>>
        %dma_wait3A_66 = arith.constant 0 : i32
        %dma_wait3A_67 = arith.constant 0 : i32
        %dma_wait3A_68 = tpu.memref_slice %arg8[%dma_wait3A_66, %dma_wait3A_67] : memref<10240x40xf32, #tpu.memory_space<vmem_shared>> -> memref<10240x40xf32, #tpu.memory_space<vmem_shared>>
        tpu.wait_indirect_dma semaphore(%run_scoped3A : memref<!tpu.dma_semaphore, #tpu.memory_space<semaphore_mem>>) src(%dma_wait3A_62 : memref<125x40xf32, #tpu.memory_space<vmem>>) dst(%dma_wait3A_68 : memref<10240x40xf32, #tpu.memory_space<vmem_shared>>)
        tpu.yield
      }) : () -> ()
      %mul3A_49 = arith.constant 8 : i32
      %mul3A_50 = arith.muli %scan3A_15, %mul3A_49 : i32
      %add3A_51 = arith.constant 7 : i32
      %add3A_52 = arith.addi %mul3A_50, %add3A_51 : i32
      "tpu.region"() ({
        %run_scoped3A = tpu.sem_alloc : memref<!tpu.dma_semaphore, #tpu.memory_space<semaphore_mem>>
        %dma_start3A = arith.constant 875 : i32
        %dma_start3A_53 = arith.constant 0 : i32
        %dma_start3A_54 = tpu.memref_slice %arg7[%dma_start3A, %dma_start3A_53] : memref<1000x40xf32, #tpu.memory_space<vmem>> -> memref<125x40xf32, #tpu.memory_space<vmem>>
        %dma_start3A_55 = arith.constant 0 : i32
        %dma_start3A_56 = tpu.memref_slice %arg6[%add3A_52, %dma_start3A_55] : memref<40x125xi32, #tpu.memory_space<vmem>> -> memref<1x125xi32, #tpu.memory_space<vmem>>
        %dma_start3A_57 = tpu.memref_squeeze %dma_start3A_56 : memref<1x125xi32, #tpu.memory_space<vmem>> -> memref<125xi32, #tpu.memory_space<vmem>>
        %dma_start3A_58 = arith.constant 0 : i32
        %dma_start3A_59 = arith.constant 0 : i32
        %dma_start3A_60 = tpu.memref_slice %arg8[%dma_start3A_58, %dma_start3A_59] : memref<10240x40xf32, #tpu.memory_space<vmem_shared>> -> memref<10240x40xf32, #tpu.memory_space<vmem_shared>>
        tpu.enqueue_indirect_dma source(%dma_start3A_54 : memref<125x40xf32, #tpu.memory_space<vmem>>) target(%dma_start3A_60 : memref<10240x40xf32, #tpu.memory_space<vmem_shared>>) offsets(%dma_start3A_57 : memref<125xi32, #tpu.memory_space<vmem>>) semaphore(%run_scoped3A : memref<!tpu.dma_semaphore, #tpu.memory_space<semaphore_mem>>) {add = true}
        %dma_wait3A = arith.constant 875 : i32
        %dma_wait3A_61 = arith.constant 0 : i32
        %dma_wait3A_62 = tpu.memref_slice %arg7[%dma_wait3A, %dma_wait3A_61] : memref<1000x40xf32, #tpu.memory_space<vmem>> -> memref<125x40xf32, #tpu.memory_space<vmem>>
        %dma_wait3A_63 = arith.constant 0 : i32
        %dma_wait3A_64 = tpu.memref_slice %arg6[%add3A_52, %dma_wait3A_63] : memref<40x125xi32, #tpu.memory_space<vmem>> -> memref<1x125xi32, #tpu.memory_space<vmem>>
        %dma_wait3A_65 = tpu.memref_squeeze %dma_wait3A_64 : memref<1x125xi32, #tpu.memory_space<vmem>> -> memref<125xi32, #tpu.memory_space<vmem>>
        %dma_wait3A_66 = arith.constant 0 : i32
        %dma_wait3A_67 = arith.constant 0 : i32
        %dma_wait3A_68 = tpu.memref_slice %arg8[%dma_wait3A_66, %dma_wait3A_67] : memref<10240x40xf32, #tpu.memory_space<vmem_shared>> -> memref<10240x40xf32, #tpu.memory_space<vmem_shared>>
        tpu.wait_indirect_dma semaphore(%run_scoped3A : memref<!tpu.dma_semaphore, #tpu.memory_space<semaphore_mem>>) src(%dma_wait3A_62 : memref<125x40xf32, #tpu.memory_space<vmem>>) dst(%dma_wait3A_68 : memref<10240x40xf32, #tpu.memory_space<vmem_shared>>)
        tpu.yield
      }) : () -> ()
    }
    %scan3A_9 = arith.constant 5 : i32
    %barrier3A_10 = arith.constant 0 : index
    tpu.barrier barrier_id(%barrier3A_10)
    %mul3A_11 = arith.constant 640 : i32
    %mul3A_12 = arith.muli %arg1, %mul3A_11 : i32
    %mul3A_13 = arith.constant 640 : i32
    %mul3A_14 = arith.muli %arg1, %mul3A_13 : i32
    "tpu.region"() ({
      %run_scoped3A = tpu.sem_alloc : memref<!tpu.dma_semaphore, #tpu.memory_space<semaphore_mem>>
      %dma_start3A = arith.constant 0 : i32
      %dma_start3A_15 = tpu.memref_slice %arg5[%arg0, %mul3A_14, %dma_start3A] : memref<2x10240x40xf32, #tpu.memory_space<hbm>> -> memref<1x640x40xf32, #tpu.memory_space<hbm>>
      %dma_start3A_16 = tpu.memref_squeeze %dma_start3A_15 : memref<1x640x40xf32, #tpu.memory_space<hbm>> -> memref<640x40xf32, #tpu.memory_space<hbm>>
      %dma_start3A_17 = arith.constant 0 : i32
      %dma_start3A_18 = tpu.memref_slice %arg8[%mul3A_12, %dma_start3A_17] : memref<10240x40xf32, #tpu.memory_space<vmem_shared>> -> memref<640x40xf32, #tpu.memory_space<vmem_shared>>
      tpu.enqueue_dma source(%dma_start3A_18 : memref<640x40xf32, #tpu.memory_space<vmem_shared>>) target(%dma_start3A_16 : memref<640x40xf32, #tpu.memory_space<hbm>>) target_semaphore(%run_scoped3A : memref<!tpu.dma_semaphore, #tpu.memory_space<semaphore_mem>>)
      %dma_wait3A = arith.constant 0 : i32
      %dma_wait3A_19 = tpu.memref_slice %arg5[%arg0, %mul3A_14, %dma_wait3A] : memref<2x10240x40xf32, #tpu.memory_space<hbm>> -> memref<1x640x40xf32, #tpu.memory_space<hbm>>
      %dma_wait3A_20 = tpu.memref_squeeze %dma_wait3A_19 : memref<1x640x40xf32, #tpu.memory_space<hbm>> -> memref<640x40xf32, #tpu.memory_space<hbm>>
      %dma_wait3A_21 = arith.constant 0 : i32
      %dma_wait3A_22 = tpu.memref_slice %arg8[%mul3A_12, %dma_wait3A_21] : memref<10240x40xf32, #tpu.memory_space<vmem_shared>> -> memref<640x40xf32, #tpu.memory_space<vmem_shared>>
      tpu.wait_dma2 semaphore(%run_scoped3A : memref<!tpu.dma_semaphore, #tpu.memory_space<semaphore_mem>>) src(%dma_wait3A_22 : memref<640x40xf32, #tpu.memory_space<vmem_shared>>) dst(%dma_wait3A_20 : memref<640x40xf32, #tpu.memory_space<hbm>>)
      tpu.yield
    }) : () -> ()
    return
  }
}

module attributes {stable_mosaic.version = 14 : i64} {
  func.func @_edge_kernel(%arg0: i32, %arg1: memref<2000x16xf32, #tpu.memory_space<vmem>>, %arg2: memref<2000x16xf32, #tpu.memory_space<vmem>>, %arg3: memref<16x512xf32, #tpu.memory_space<vmem>>, %arg4: memref<1x512xf32, #tpu.memory_space<vmem>>, %arg5: memref<16x512xf32, #tpu.memory_space<vmem>>, %arg6: memref<512x32xbf16, #tpu.memory_space<vmem>>, %arg7: memref<2000x40xf32, #tpu.memory_space<vmem>>) attributes {dimension_semantics = [#tpu.dimension_semantics<arbitrary>], iteration_bounds = array<i64: 80>, scalar_prefetch = 0 : i64, scratch_operands = 0 : i64, tpu.core_type = #tpu.core_type<tc>, window_params = [{transform_indices = @transform_0, window_bounds = array<i64: 2000, 16>}, {transform_indices = @transform_1, window_bounds = array<i64: 2000, 16>}, {pipeline_mode = #tpu.pipeline_mode<synchronous>, transform_indices = @transform_2, window_bounds = array<i64: 16, 512>}, {pipeline_mode = #tpu.pipeline_mode<synchronous>, transform_indices = @transform_3, window_bounds = array<i64: 1, 512>}, {pipeline_mode = #tpu.pipeline_mode<synchronous>, transform_indices = @transform_4, window_bounds = array<i64: 16, 512>}, {pipeline_mode = #tpu.pipeline_mode<synchronous>, transform_indices = @transform_5, window_bounds = array<i64: 512, 32>}, {transform_indices = @transform_6, window_bounds = array<i64: 2000, 40>}]} {
    %get3A = arith.constant 0 : index
    %get3A_0 = arith.constant 0 : index
    %get3A_1 = vector.load %arg1[%get3A, %get3A_0] : memref<2000x16xf32, #tpu.memory_space<vmem>>, vector<2000x16xf32>
    %get3A_2 = arith.constant 0 : index
    %get3A_3 = arith.constant 0 : index
    %get3A_4 = vector.load %arg2[%get3A_2, %get3A_3] : memref<2000x16xf32, #tpu.memory_space<vmem>>, vector<2000x16xf32>
    %get3A_5 = arith.constant 0 : index
    %get3A_6 = arith.constant 0 : index
    %get3A_7 = vector.load %arg3[%get3A_5, %get3A_6] : memref<16x512xf32, #tpu.memory_space<vmem>>, vector<16x512xf32>
    %dot_general3A = arith.constant dense<0.000000e+00> : vector<2000x512xf32>
    %dot_general3A_8 = tpu.matmul %get3A_1, %get3A_7, %dot_general3A {dimension_numbers = #tpu.dot_dimension_numbers<[1], [0], [0], [1], [0, 0, 1, 1], [], []>, transpose_lhs_hint = false} : vector<2000x16xf32>, vector<16x512xf32>, vector<2000x512xf32> -> vector<2000x512xf32>
    %get3A_9 = arith.constant 0 : index
    %get3A_10 = arith.constant 0 : index
    %get3A_11 = vector.load %arg4[%get3A_9, %get3A_10] : memref<1x512xf32, #tpu.memory_space<vmem>>, vector<1x512xf32>
    %add3A = vector.broadcast %get3A_11 : vector<1x512xf32> to vector<2000x512xf32>
    %add3A_12 = arith.addf %dot_general3A_8, %add3A : vector<2000x512xf32>
    %max3A = arith.constant 0.000000e+00 : f32
    %max3A_13 = vector.broadcast %max3A : f32 to vector<2000x512xf32>
    %max3A_14 = arith.maximumf %add3A_12, %max3A_13 : vector<2000x512xf32>
    %get3A_15 = arith.constant 0 : index
    %get3A_16 = arith.constant 0 : index
    %get3A_17 = vector.load %arg5[%get3A_15, %get3A_16] : memref<16x512xf32, #tpu.memory_space<vmem>>, vector<16x512xf32>
    %dot_general3A_18 = arith.constant dense<0.000000e+00> : vector<2000x512xf32>
    %dot_general3A_19 = tpu.matmul %get3A_4, %get3A_17, %dot_general3A_18 {dimension_numbers = #tpu.dot_dimension_numbers<[1], [0], [0], [1], [0, 0, 1, 1], [], []>, transpose_lhs_hint = false} : vector<2000x16xf32>, vector<16x512xf32>, vector<2000x512xf32> -> vector<2000x512xf32>
    %mul3A = arith.mulf %dot_general3A_19, %max3A_14 : vector<2000x512xf32>
    %convert_element_type3A = arith.truncf %mul3A : vector<2000x512xf32> to vector<2000x512xbf16>
    %get3A_20 = arith.constant 0 : index
    %get3A_21 = arith.constant 0 : index
    %get3A_22 = vector.load %arg6[%get3A_20, %get3A_21] : memref<512x32xbf16, #tpu.memory_space<vmem>>, vector<512x32xbf16>
    %dot_general3A_23 = arith.constant dense<0.000000e+00> : vector<2000x32xf32>
    %dot_general3A_24 = tpu.matmul %convert_element_type3A, %get3A_22, %dot_general3A_23 {dimension_numbers = #tpu.dot_dimension_numbers<[1], [0], [0], [1], [0, 0, 1, 1], [], []>, transpose_lhs_hint = false} : vector<2000x512xbf16>, vector<512x32xbf16>, vector<2000x32xf32> -> vector<2000x32xf32>
    %broadcast_in_dim3A = arith.constant 1.000000e+00 : f32
    %broadcast_in_dim3A_25 = vector.broadcast %broadcast_in_dim3A : f32 to vector<2000x1xf32>
    %broadcast_in_dim3A_26 = arith.constant 0.000000e+00 : f32
    %broadcast_in_dim3A_27 = vector.broadcast %broadcast_in_dim3A_26 : f32 to vector<2000x7xf32>
    %concatenate3A = tpu.concatenate %dot_general3A_24, %broadcast_in_dim3A_25, %broadcast_in_dim3A_27 in 1 : vector<2000x32xf32>, vector<2000x1xf32>, vector<2000x7xf32> -> vector<2000x40xf32>
    %swap3A = arith.constant 0 : index
    %swap3A_28 = arith.constant 0 : index
    %swap3A_29 = vector.load %arg7[%swap3A, %swap3A_28] : memref<2000x40xf32, #tpu.memory_space<vmem>>, vector<2000x40xf32>
    tpu.vector_store %arg7[%swap3A, %swap3A_28], %concatenate3A {strides = array<i32>} : memref<2000x40xf32, #tpu.memory_space<vmem>>, vector<2000x40xf32>,
    return
  }
  func.func @transform_0(%arg0: i32) -> (i32, i32) {
    %c0_i32 = arith.constant 0 : i32
    %c0_i32_0 = arith.constant 0 : i32
    return %arg0, %c0_i32 : i32, i32
  }
  func.func @transform_1(%arg0: i32) -> (i32, i32) {
    %c0_i32 = arith.constant 0 : i32
    %c0_i32_0 = arith.constant 0 : i32
    return %arg0, %c0_i32 : i32, i32
  }
  func.func @transform_2(%arg0: i32) -> (i32, i32) {
    %c0_i32 = arith.constant 0 : i32
    %c0_i32_0 = arith.constant 0 : i32
    %c0_i32_1 = arith.constant 0 : i32
    return %c0_i32, %c0_i32_0 : i32, i32
  }
  func.func @transform_3(%arg0: i32) -> (i32, i32) {
    %c0_i32 = arith.constant 0 : i32
    %c0_i32_0 = arith.constant 0 : i32
    %c0_i32_1 = arith.constant 0 : i32
    return %c0_i32, %c0_i32_0 : i32, i32
  }
  func.func @transform_4(%arg0: i32) -> (i32, i32) {
    %c0_i32 = arith.constant 0 : i32
    %c0_i32_0 = arith.constant 0 : i32
    %c0_i32_1 = arith.constant 0 : i32
    return %c0_i32, %c0_i32_0 : i32, i32
  }
  func.func @transform_5(%arg0: i32) -> (i32, i32) {
    %c0_i32 = arith.constant 0 : i32
    %c0_i32_0 = arith.constant 0 : i32
    %c0_i32_1 = arith.constant 0 : i32
    return %c0_i32, %c0_i32_0 : i32, i32
  }
  func.func @transform_6(%arg0: i32) -> (i32, i32) {
    %c0_i32 = arith.constant 0 : i32
    %c0_i32_0 = arith.constant 0 : i32
    return %arg0, %c0_i32 : i32, i32
  }
}

module attributes {stable_mosaic.version = 14 : i64} {
  func.func @_node_a_kernel(%arg0: i32, %arg1: memref<2x1000x40xf32, #tpu.memory_space<vmem>>, %arg2: memref<1000x16xf32, #tpu.memory_space<vmem>>, %arg3: memref<16x32xf32, #tpu.memory_space<vmem>>, %arg4: memref<1x32xf32, #tpu.memory_space<vmem>>, %arg5: memref<32x1xf32, #tpu.memory_space<vmem>>, %arg6: memref<1x1xf32, #tpu.memory_space<vmem>>, %arg7: memref<1000x32xf32, #tpu.memory_space<vmem>>, %arg8: memref<1000x1xf32, #tpu.memory_space<vmem>>, %arg9: memref<1x1xf32, #tpu.memory_space<vmem>>, %arg10: memref<1xf32, #tpu.memory_space<smem>>) attributes {dimension_semantics = [#tpu.dimension_semantics<arbitrary>], iteration_bounds = array<i64: 10>, scalar_prefetch = 0 : i64, scratch_operands = 1 : i64, tpu.core_type = #tpu.core_type<tc>, window_params = [{transform_indices = @transform_0, window_bounds = array<i64: 2, 1000, 40>}, {transform_indices = @transform_1, window_bounds = array<i64: 1000, 16>}, {pipeline_mode = #tpu.pipeline_mode<synchronous>, transform_indices = @transform_2, window_bounds = array<i64: 16, 32>}, {pipeline_mode = #tpu.pipeline_mode<synchronous>, transform_indices = @transform_3, window_bounds = array<i64: 1, 32>}, {pipeline_mode = #tpu.pipeline_mode<synchronous>, transform_indices = @transform_4, window_bounds = array<i64: 32, 1>}, {pipeline_mode = #tpu.pipeline_mode<synchronous>, transform_indices = @transform_5, window_bounds = array<i64: 1, 1>}, {transform_indices = @transform_6, window_bounds = array<i64: 1000, 32>}, {transform_indices = @transform_7, window_bounds = array<i64: 1000, 1>}, {pipeline_mode = #tpu.pipeline_mode<synchronous>, transform_indices = @transform_8, window_bounds = array<i64: 1, 1>}]} {
    %get3A = arith.constant 0 : index
    %get3A_0 = arith.constant 0 : index
    %get3A_1 = arith.constant 0 : index
    %get3A_2 = vector.load %arg1[%get3A, %get3A_0, %get3A_1] : memref<2x1000x40xf32, #tpu.memory_space<vmem>>, vector<2x1000x40xf32>
    %slice3A = vector.extract_strided_slice %get3A_2 {offsets = [0, 0, 0], sizes = [1, 1000, 32], strides = [1, 1, 1]} : vector<2x1000x40xf32> to vector<1x1000x32xf32>
    %squeeze3A = vector.shape_cast %slice3A : vector<1x1000x32xf32> to vector<1000x32xf32>
    %slice3A_3 = vector.extract_strided_slice %get3A_2 {offsets = [1, 0, 0], sizes = [1, 1000, 32], strides = [1, 1, 1]} : vector<2x1000x40xf32> to vector<1x1000x32xf32>
    %squeeze3A_4 = vector.shape_cast %slice3A_3 : vector<1x1000x32xf32> to vector<1000x32xf32>
    %add3A = arith.addf %squeeze3A, %squeeze3A_4 : vector<1000x32xf32>
    %slice3A_5 = vector.extract_strided_slice %get3A_2 {offsets = [0, 0, 32], sizes = [1, 1000, 1], strides = [1, 1, 1]} : vector<2x1000x40xf32> to vector<1x1000x1xf32>
    %squeeze3A_6 = vector.shape_cast %slice3A_5 : vector<1x1000x1xf32> to vector<1000x1xf32>
    %slice3A_7 = vector.extract_strided_slice %get3A_2 {offsets = [1, 0, 32], sizes = [1, 1000, 1], strides = [1, 1, 1]} : vector<2x1000x40xf32> to vector<1x1000x1xf32>
    %squeeze3A_8 = vector.shape_cast %slice3A_7 : vector<1x1000x1xf32> to vector<1000x1xf32>
    %add3A_9 = arith.addf %squeeze3A_6, %squeeze3A_8 : vector<1000x1xf32>
    %max3A = arith.constant 1.000000e+00 : f32
    %max3A_10 = vector.broadcast %max3A : f32 to vector<1000x1xf32>
    %max3A_11 = arith.maximumf %add3A_9, %max3A_10 : vector<1000x1xf32>
    %div3A = vector.broadcast %max3A_11 : vector<1000x1xf32> to vector<1000x32xf32>
    %div3A_12 = arith.divf %add3A, %div3A : vector<1000x32xf32>
    %get3A_13 = arith.constant 0 : index
    %get3A_14 = arith.constant 0 : index
    %get3A_15 = vector.load %arg2[%get3A_13, %get3A_14] : memref<1000x16xf32, #tpu.memory_space<vmem>>, vector<1000x16xf32>
    %get3A_16 = arith.constant 0 : index
    %get3A_17 = arith.constant 0 : index
    %get3A_18 = vector.load %arg3[%get3A_16, %get3A_17] : memref<16x32xf32, #tpu.memory_space<vmem>>, vector<16x32xf32>
    %dot_general3A = arith.constant dense<0.000000e+00> : vector<1000x32xf32>
    %dot_general3A_19 = tpu.matmul %get3A_15, %get3A_18, %dot_general3A {dimension_numbers = #tpu.dot_dimension_numbers<[1], [0], [0], [1], [0, 0, 1, 1], [], []>, transpose_lhs_hint = false} : vector<1000x16xf32>, vector<16x32xf32>, vector<1000x32xf32> -> vector<1000x32xf32>
    %add3A_20 = arith.addf %div3A_12, %dot_general3A_19 : vector<1000x32xf32>
    %get3A_21 = arith.constant 0 : index
    %get3A_22 = arith.constant 0 : index
    %get3A_23 = vector.load %arg4[%get3A_21, %get3A_22] : memref<1x32xf32, #tpu.memory_space<vmem>>, vector<1x32xf32>
    %add3A_24 = vector.broadcast %get3A_23 : vector<1x32xf32> to vector<1000x32xf32>
    %add3A_25 = arith.addf %add3A_20, %add3A_24 : vector<1000x32xf32>
    %max3A_26 = arith.constant 0.000000e+00 : f32
    %max3A_27 = vector.broadcast %max3A_26 : f32 to vector<1000x32xf32>
    %max3A_28 = arith.maximumf %add3A_25, %max3A_27 : vector<1000x32xf32>
    %swap3A = arith.constant 0 : index
    %swap3A_29 = arith.constant 0 : index
    %swap3A_30 = vector.load %arg7[%swap3A, %swap3A_29] : memref<1000x32xf32, #tpu.memory_space<vmem>>, vector<1000x32xf32>
    tpu.vector_store %arg7[%swap3A, %swap3A_29], %max3A_28 {strides = array<i32>} : memref<1000x32xf32, #tpu.memory_space<vmem>>, vector<1000x32xf32>,
    %get3A_31 = arith.constant 0 : index
    %get3A_32 = arith.constant 0 : index
    %get3A_33 = vector.load %arg5[%get3A_31, %get3A_32] : memref<32x1xf32, #tpu.memory_space<vmem>>, vector<32x1xf32>
    %dot_general3A_34 = arith.constant dense<0.000000e+00> : vector<1000x1xf32>
    %dot_general3A_35 = tpu.matmul %max3A_28, %get3A_33, %dot_general3A_34 {dimension_numbers = #tpu.dot_dimension_numbers<[1], [0], [0], [1], [0, 0, 1, 1], [], []>, transpose_lhs_hint = false} : vector<1000x32xf32>, vector<32x1xf32>, vector<1000x1xf32> -> vector<1000x1xf32>
    %get3A_36 = arith.constant 0 : index
    %get3A_37 = arith.constant 0 : index
    %get3A_38 = vector.load %arg6[%get3A_36, %get3A_37] : memref<1x1xf32, #tpu.memory_space<vmem>>, vector<1x1xf32>
    %add3A_39 = vector.broadcast %get3A_38 : vector<1x1xf32> to vector<1000x1xf32>
    %add3A_40 = arith.addf %dot_general3A_35, %add3A_39 : vector<1000x1xf32>
    %swap3A_41 = arith.constant 0 : index
    %swap3A_42 = arith.constant 0 : index
    %swap3A_43 = vector.load %arg8[%swap3A_41, %swap3A_42] : memref<1000x1xf32, #tpu.memory_space<vmem>>, vector<1000x1xf32>
    tpu.vector_store %arg8[%swap3A_41, %swap3A_42], %add3A_40 {strides = array<i32>} : memref<1000x1xf32, #tpu.memory_space<vmem>>, vector<1000x1xf32>,
    %reduce_max3A = vector.shape_cast %add3A_40 : vector<1000x1xf32> to vector<1x1000x1xf32>
    %reduce_max3A_44 = arith.constant dense<0xFF800000> : vector<1xf32>
    %reduce_max3A_45 = vector.multi_reduction <maximumf>, %reduce_max3A, %reduce_max3A_44 [1, 2] : vector<1x1000x1xf32> to vector<1xf32>
    %reduce_max3A_46 = vector.shape_cast %reduce_max3A_45 : vector<1xf32> to vector<1x1x1xf32>
    %reduce_max3A_47 = vector.extract %reduce_max3A_46[0, 0, 0] : f32 from vector<1x1x1xf32>
    %eq3A = arith.constant 0 : i32
    %eq3A_48 = arith.cmpi eq, %arg0, %eq3A : i32
    %get3A_49 = arith.constant 0 : index
    %get3A_50 = memref.load %arg10[%get3A_49] : memref<1xf32, #tpu.memory_space<smem>>
    %jit3A = arith.constant 0xFF800000 : f32
    %select_n3A = arith.select %eq3A_48, %jit3A, %get3A_50 : f32
    %max3A_51 = arith.maximumf %select_n3A, %reduce_max3A_47 : f32
    %swap3A_52 = arith.constant 0 : index
    %swap3A_53 = memref.load %arg10[%swap3A_52] : memref<1xf32, #tpu.memory_space<smem>>
    memref.store %max3A_51, %arg10[%swap3A_52] : memref<1xf32, #tpu.memory_space<smem>>
    %eq3A_54 = arith.constant 9 : i32
    %eq3A_55 = arith.cmpi eq, %arg0, %eq3A_54 : i32
    %convert_element_type3A = arith.extui %eq3A_55 : i1 to i32
    %cond3A = arith.constant 0 : i32
    %cond3A_56 = arith.cmpi ne, %convert_element_type3A, %cond3A : i32
    scf.if %cond3A_56 {
      %get3A_57 = arith.constant 0 : index
      %get3A_58 = memref.load %arg10[%get3A_57] : memref<1xf32, #tpu.memory_space<smem>>
      %broadcast_in_dim3A = vector.broadcast %get3A_58 : f32 to vector<1x1xf32>
      %swap3A_59 = arith.constant 0 : index
      %swap3A_60 = arith.constant 0 : index
      %swap3A_61 = vector.load %arg9[%swap3A_59, %swap3A_60] : memref<1x1xf32, #tpu.memory_space<vmem>>, vector<1x1xf32>
      tpu.vector_store %arg9[%swap3A_59, %swap3A_60], %broadcast_in_dim3A {strides = array<i32>} : memref<1x1xf32, #tpu.memory_space<vmem>>, vector<1x1xf32>,
    } else {
    }
    return
  }
  func.func @transform_0(%arg0: i32) -> (i32, i32, i32) {
    %c0_i32 = arith.constant 0 : i32
    %c0_i32_0 = arith.constant 0 : i32
    %c0_i32_1 = arith.constant 0 : i32
    return %c0_i32, %arg0, %c0_i32_0 : i32, i32, i32
  }
  func.func @transform_1(%arg0: i32) -> (i32, i32) {
    %c0_i32 = arith.constant 0 : i32
    %c0_i32_0 = arith.constant 0 : i32
    return %arg0, %c0_i32 : i32, i32
  }
  func.func @transform_2(%arg0: i32) -> (i32, i32) {
    %c0_i32 = arith.constant 0 : i32
    %c0_i32_0 = arith.constant 0 : i32
    %c0_i32_1 = arith.constant 0 : i32
    return %c0_i32, %c0_i32_0 : i32, i32
  }
  func.func @transform_3(%arg0: i32) -> (i32, i32) {
    %c0_i32 = arith.constant 0 : i32
    %c0_i32_0 = arith.constant 0 : i32
    %c0_i32_1 = arith.constant 0 : i32
    return %c0_i32, %c0_i32_0 : i32, i32
  }
  func.func @transform_4(%arg0: i32) -> (i32, i32) {
    %c0_i32 = arith.constant 0 : i32
    %c0_i32_0 = arith.constant 0 : i32
    %c0_i32_1 = arith.constant 0 : i32
    return %c0_i32, %c0_i32_0 : i32, i32
  }
  func.func @transform_5(%arg0: i32) -> (i32, i32) {
    %c0_i32 = arith.constant 0 : i32
    %c0_i32_0 = arith.constant 0 : i32
    %c0_i32_1 = arith.constant 0 : i32
    return %c0_i32, %c0_i32_0 : i32, i32
  }
  func.func @transform_6(%arg0: i32) -> (i32, i32) {
    %c0_i32 = arith.constant 0 : i32
    %c0_i32_0 = arith.constant 0 : i32
    return %arg0, %c0_i32 : i32, i32
  }
  func.func @transform_7(%arg0: i32) -> (i32, i32) {
    %c0_i32 = arith.constant 0 : i32
    %c0_i32_0 = arith.constant 0 : i32
    return %arg0, %c0_i32 : i32, i32
  }
  func.func @transform_8(%arg0: i32) -> (i32, i32) {
    %c0_i32 = arith.constant 0 : i32
    %c0_i32_0 = arith.constant 0 : i32
    %c0_i32_1 = arith.constant 0 : i32
    return %c0_i32, %c0_i32_0 : i32, i32
  }
}

module attributes {stable_mosaic.version = 14 : i64} {
  func.func @_node_b_kernel(%arg0: i32, %arg1: memref<1000x32xf32, #tpu.memory_space<vmem>>, %arg2: memref<1000x1xf32, #tpu.memory_space<vmem>>, %arg3: memref<1x1xf32, #tpu.memory_space<vmem>>, %arg4: memref<1x1x1000xi32, #tpu.memory_space<vmem>>, %arg5: memref<512x64xf32, #tpu.memory_space<vmem>>, %arg6: memref<32x32xf32, #tpu.memory_space<vmem>>, %arg7: memref<64x32xf32, #tpu.memory_space<vmem>>, %arg8: memref<32x1xf32, #tpu.memory_space<vmem>>, %arg9: memref<512x33xf32, #tpu.memory_space<vmem>>, %arg10: memref<512x33xf32, #tpu.memory_space<vmem>>) attributes {dimension_semantics = [#tpu.dimension_semantics<arbitrary>], iteration_bounds = array<i64: 10>, scalar_prefetch = 0 : i64, scratch_operands = 1 : i64, tpu.core_type = #tpu.core_type<tc>, window_params = [{transform_indices = @transform_0, window_bounds = array<i64: 1000, 32>}, {transform_indices = @transform_1, window_bounds = array<i64: 1000, 1>}, {pipeline_mode = #tpu.pipeline_mode<synchronous>, transform_indices = @transform_2, window_bounds = array<i64: 1, 1>}, {transform_indices = @transform_3, window_bounds = array<i64: 1, 1, 1000>}, {pipeline_mode = #tpu.pipeline_mode<synchronous>, transform_indices = @transform_4, window_bounds = array<i64: 512, 64>}, {pipeline_mode = #tpu.pipeline_mode<synchronous>, transform_indices = @transform_5, window_bounds = array<i64: 32, 32>}, {pipeline_mode = #tpu.pipeline_mode<synchronous>, transform_indices = @transform_6, window_bounds = array<i64: 64, 32>}, {pipeline_mode = #tpu.pipeline_mode<synchronous>, transform_indices = @transform_7, window_bounds = array<i64: 32, 1>}, {pipeline_mode = #tpu.pipeline_mode<synchronous>, transform_indices = @transform_8, window_bounds = array<i64: 512, 33>}]} {
    %eq3A = arith.constant 0 : i32
    %eq3A_0 = arith.cmpi eq, %arg0, %eq3A : i32
    %convert_element_type3A = arith.extui %eq3A_0 : i1 to i32
    %cond3A = arith.constant 0 : i32
    %cond3A_1 = arith.cmpi ne, %convert_element_type3A, %cond3A : i32
    scf.if %cond3A_1 {
      %broadcast_in_dim3A = arith.constant 0.000000e+00 : f32
      %broadcast_in_dim3A_33 = vector.broadcast %broadcast_in_dim3A : f32 to vector<512x33xf32>
      %swap3A_34 = arith.constant 0 : index
      %swap3A_35 = arith.constant 0 : index
      %swap3A_36 = vector.load %arg10[%swap3A_34, %swap3A_35] : memref<512x33xf32, #tpu.memory_space<vmem>>, vector<512x33xf32>
      tpu.vector_store %arg10[%swap3A_34, %swap3A_35], %broadcast_in_dim3A_33 {strides = array<i32>} : memref<512x33xf32, #tpu.memory_space<vmem>>, vector<512x33xf32>,
    } else {
    }
    %get3A = arith.constant 0 : index
    %get3A_2 = arith.constant 0 : index
    %get3A_3 = vector.load %arg1[%get3A, %get3A_2] : memref<1000x32xf32, #tpu.memory_space<vmem>>, vector<1000x32xf32>
    %get3A_4 = arith.constant 0 : index
    %get3A_5 = arith.constant 0 : index
    %get3A_6 = vector.load %arg2[%get3A_4, %get3A_5] : memref<1000x1xf32, #tpu.memory_space<vmem>>, vector<1000x1xf32>
    %get3A_7 = arith.constant 0 : index
    %get3A_8 = arith.constant 0 : index
    %get3A_9 = vector.load %arg3[%get3A_7, %get3A_8] : memref<1x1xf32, #tpu.memory_space<vmem>>, vector<1x1xf32>
    %get3A_10 = vector.extract %get3A_9[0, 0] : f32 from vector<1x1xf32>
    %sub3A = vector.broadcast %get3A_10 : f32 to vector<1000x1xf32>
    %sub3A_11 = arith.subf %get3A_6, %sub3A : vector<1000x1xf32>
    %exp3A = math.exp %sub3A_11 : vector<1000x1xf32>
    %mul3A = vector.broadcast %exp3A : vector<1000x1xf32> to vector<1000x32xf32>
    %mul3A_12 = arith.mulf %mul3A, %get3A_3 : vector<1000x32xf32>
    %concatenate3A = tpu.concatenate %mul3A_12, %exp3A in 1 : vector<1000x32xf32>, vector<1000x1xf32> -> vector<1000x33xf32>
    %iota3A = tpu.iota {dimensions = array<i32: 0>} : vector<512x1000xi32>
    %get3A_13 = arith.constant 0 : index
    %get3A_14 = arith.constant 0 : index
    %get3A_15 = arith.constant 0 : index
    %get3A_16 = vector.load %arg4[%get3A_13, %get3A_14, %get3A_15] : memref<1x1x1000xi32, #tpu.memory_space<vmem>>, vector<1x1x1000xi32>
    %get3A_17 = vector.shape_cast %get3A_16 : vector<1x1x1000xi32> to vector<1x1000xi32>
    %eq3A_18 = vector.broadcast %get3A_17 : vector<1x1000xi32> to vector<512x1000xi32>
    %eq3A_19 = arith.cmpi eq, %iota3A, %eq3A_18 : vector<512x1000xi32>
    %convert_element_type3A_20 = arith.extui %eq3A_19 : vector<512x1000xi1> to vector<512x1000xi32>
    %convert_element_type3A_21 = arith.sitofp %convert_element_type3A_20 : vector<512x1000xi32> to vector<512x1000xf32>
    %get3A_22 = arith.constant 0 : index
    %get3A_23 = arith.constant 0 : index
    %get3A_24 = vector.load %arg10[%get3A_22, %get3A_23] : memref<512x33xf32, #tpu.memory_space<vmem>>, vector<512x33xf32>
    %dot_general3A = arith.constant dense<0.000000e+00> : vector<512x33xf32>
    %dot_general3A_25 = tpu.matmul %convert_element_type3A_21, %concatenate3A, %dot_general3A {dimension_numbers = #tpu.dot_dimension_numbers<[1], [0], [0], [1], [0, 0, 1, 1], [], []>, transpose_lhs_hint = false} : vector<512x1000xf32>, vector<1000x33xf32>, vector<512x33xf32> -> vector<512x33xf32>
    %add3A = arith.addf %get3A_24, %dot_general3A_25 : vector<512x33xf32>
    %swap3A = arith.constant 0 : index
    %swap3A_26 = arith.constant 0 : index
    %swap3A_27 = vector.load %arg10[%swap3A, %swap3A_26] : memref<512x33xf32, #tpu.memory_space<vmem>>, vector<512x33xf32>
    tpu.vector_store %arg10[%swap3A, %swap3A_26], %add3A {strides = array<i32>} : memref<512x33xf32, #tpu.memory_space<vmem>>, vector<512x33xf32>,
    %eq3A_28 = arith.constant 9 : i32
    %eq3A_29 = arith.cmpi eq, %arg0, %eq3A_28 : i32
    %convert_element_type3A_30 = arith.extui %eq3A_29 : i1 to i32
    %cond3A_31 = arith.constant 0 : i32
    %cond3A_32 = arith.cmpi ne, %convert_element_type3A_30, %cond3A_31 : i32
    scf.if %cond3A_32 {
      %get3A_33 = arith.constant 0 : index
      %get3A_34 = arith.constant 0 : index
      %get3A_35 = vector.load %arg10[%get3A_33, %get3A_34] : memref<512x33xf32, #tpu.memory_space<vmem>>, vector<512x33xf32>
      %slice3A = vector.extract_strided_slice %get3A_35 {offsets = [0, 32], sizes = [512, 1], strides = [1, 1]} : vector<512x33xf32> to vector<512x1xf32>
      %gt3A = arith.constant 0.000000e+00 : f32
      %gt3A_36 = vector.broadcast %gt3A : f32 to vector<512x1xf32>
      %gt3A_37 = arith.cmpf ogt, %slice3A, %gt3A_36 : vector<512x1xf32>
      %jit3A = arith.constant 1.000000e+00 : f32
      %broadcast_in_dim3A = vector.broadcast %jit3A : f32 to vector<512x1xf32>
      %select_n3A = arith.select %gt3A_37, %slice3A, %broadcast_in_dim3A : vector<512x1xi1>, vector<512x1xf32>
      %gt3A_38 = arith.constant 0.000000e+00 : f32
      %gt3A_39 = vector.broadcast %gt3A_38 : f32 to vector<512x1xf32>
      %gt3A_40 = arith.cmpf ogt, %slice3A, %gt3A_39 : vector<512x1xf32>
      %slice3A_41 = vector.extract_strided_slice %get3A_35 {offsets = [0, 0], sizes = [512, 32], strides = [1, 1]} : vector<512x33xf32> to vector<512x32xf32>
      %div3A = vector.broadcast %select_n3A : vector<512x1xf32> to vector<512x32xf32>
      %div3A_42 = arith.divf %slice3A_41, %div3A : vector<512x32xf32>
      %jit3A_43 = arith.constant 0.000000e+00 : f32
      %broadcast_in_dim3A_44 = vector.shape_cast %gt3A_40 : vector<512x1xi1> to vector<512x1xi1>
      %broadcast_in_dim3A_45 = vector.broadcast %broadcast_in_dim3A_44 : vector<512x1xi1> to vector<512x32xi1>
      %broadcast_in_dim3A_46 = vector.broadcast %jit3A_43 : f32 to vector<512x32xf32>
      %select_n3A_47 = arith.select %broadcast_in_dim3A_45, %div3A_42, %broadcast_in_dim3A_46 : vector<512x32xi1>, vector<512x32xf32>
      %get3A_48 = arith.constant 0 : index
      %get3A_49 = arith.constant 0 : index
      %get3A_50 = vector.load %arg6[%get3A_48, %get3A_49] : memref<32x32xf32, #tpu.memory_space<vmem>>, vector<32x32xf32>
      %dot_general3A_51 = arith.constant dense<0.000000e+00> : vector<512x32xf32>
      %dot_general3A_52 = tpu.matmul %select_n3A_47, %get3A_50, %dot_general3A_51 {dimension_numbers = #tpu.dot_dimension_numbers<[1], [0], [0], [1], [0, 0, 1, 1], [], []>, transpose_lhs_hint = false} : vector<512x32xf32>, vector<32x32xf32>, vector<512x32xf32> -> vector<512x32xf32>
      %get3A_53 = arith.constant 0 : index
      %get3A_54 = arith.constant 0 : index
      %get3A_55 = vector.load %arg5[%get3A_53, %get3A_54] : memref<512x64xf32, #tpu.memory_space<vmem>>, vector<512x64xf32>
      %get3A_56 = arith.constant 0 : index
      %get3A_57 = arith.constant 0 : index
      %get3A_58 = vector.load %arg7[%get3A_56, %get3A_57] : memref<64x32xf32, #tpu.memory_space<vmem>>, vector<64x32xf32>
      %dot_general3A_59 = arith.constant dense<0.000000e+00> : vector<512x32xf32>
      %dot_general3A_60 = tpu.matmul %get3A_55, %get3A_58, %dot_general3A_59 {dimension_numbers = #tpu.dot_dimension_numbers<[1], [0], [0], [1], [0, 0, 1, 1], [], []>, transpose_lhs_hint = false} : vector<512x64xf32>, vector<64x32xf32>, vector<512x32xf32> -> vector<512x32xf32>
      %add3A_61 = arith.addf %dot_general3A_52, %dot_general3A_60 : vector<512x32xf32>
      %get3A_62 = arith.constant 0 : index
      %get3A_63 = arith.constant 0 : index
      %get3A_64 = vector.load %arg8[%get3A_62, %get3A_63] : memref<32x1xf32, #tpu.memory_space<vmem>>, vector<32x1xf32>
      %dot_general3A_65 = arith.constant dense<0.000000e+00> : vector<512x1xf32>
      %dot_general3A_66 = tpu.matmul %select_n3A_47, %get3A_64, %dot_general3A_65 {dimension_numbers = #tpu.dot_dimension_numbers<[1], [0], [0], [1], [0, 0, 1, 1], [], []>, transpose_lhs_hint = false} : vector<512x32xf32>, vector<32x1xf32>, vector<512x1xf32> -> vector<512x1xf32>
      %concatenate3A_67 = tpu.concatenate %add3A_61, %dot_general3A_66 in 1 : vector<512x32xf32>, vector<512x1xf32> -> vector<512x33xf32>
      %swap3A_68 = arith.constant 0 : index
      %swap3A_69 = arith.constant 0 : index
      %swap3A_70 = vector.load %arg9[%swap3A_68, %swap3A_69] : memref<512x33xf32, #tpu.memory_space<vmem>>, vector<512x33xf32>
      tpu.vector_store %arg9[%swap3A_68, %swap3A_69], %concatenate3A_67 {strides = array<i32>} : memref<512x33xf32, #tpu.memory_space<vmem>>, vector<512x33xf32>,
    } else {
    }
    return
  }
  func.func @transform_0(%arg0: i32) -> (i32, i32) {
    %c0_i32 = arith.constant 0 : i32
    %c0_i32_0 = arith.constant 0 : i32
    return %arg0, %c0_i32 : i32, i32
  }
  func.func @transform_1(%arg0: i32) -> (i32, i32) {
    %c0_i32 = arith.constant 0 : i32
    %c0_i32_0 = arith.constant 0 : i32
    return %arg0, %c0_i32 : i32, i32
  }
  func.func @transform_2(%arg0: i32) -> (i32, i32) {
    %c0_i32 = arith.constant 0 : i32
    %c0_i32_0 = arith.constant 0 : i32
    %c0_i32_1 = arith.constant 0 : i32
    return %c0_i32, %c0_i32_0 : i32, i32
  }
  func.func @transform_3(%arg0: i32) -> (i32, i32, i32) {
    %c0_i32 = arith.constant 0 : i32
    %c0_i32_0 = arith.constant 0 : i32
    %c0_i32_1 = arith.constant 0 : i32
    return %arg0, %c0_i32, %c0_i32_0 : i32, i32, i32
  }
  func.func @transform_4(%arg0: i32) -> (i32, i32) {
    %c0_i32 = arith.constant 0 : i32
    %c0_i32_0 = arith.constant 0 : i32
    %c0_i32_1 = arith.constant 0 : i32
    return %c0_i32, %c0_i32_0 : i32, i32
  }
  func.func @transform_5(%arg0: i32) -> (i32, i32) {
    %c0_i32 = arith.constant 0 : i32
    %c0_i32_0 = arith.constant 0 : i32
    %c0_i32_1 = arith.constant 0 : i32
    return %c0_i32, %c0_i32_0 : i32, i32
  }
  func.func @transform_6(%arg0: i32) -> (i32, i32) {
    %c0_i32 = arith.constant 0 : i32
    %c0_i32_0 = arith.constant 0 : i32
    %c0_i32_1 = arith.constant 0 : i32
    return %c0_i32, %c0_i32_0 : i32, i32
  }
  func.func @transform_7(%arg0: i32) -> (i32, i32) {
    %c0_i32 = arith.constant 0 : i32
    %c0_i32_0 = arith.constant 0 : i32
    %c0_i32_1 = arith.constant 0 : i32
    return %c0_i32, %c0_i32_0 : i32, i32
  }
  func.func @transform_8(%arg0: i32) -> (i32, i32) {
    %c0_i32 = arith.constant 0 : i32
    %c0_i32_0 = arith.constant 0 : i32
    %c0_i32_1 = arith.constant 0 : i32
    return %c0_i32, %c0_i32_0 : i32, i32
  }
}

module attributes {stable_mosaic.version = 14 : i64} {
  func.func @_node_c_kernel(%arg0: i32, %arg1: memref<1000x32xf32, #tpu.memory_space<vmem>>, %arg2: memref<1000x1xi32, #tpu.memory_space<vmem>>, %arg3: memref<512x33xf32, #tpu.memory_space<vmem>>, %arg4: memref<32x32xf32, #tpu.memory_space<vmem>>, %arg5: memref<1x32xf32, #tpu.memory_space<vmem>>, %arg6: memref<32x128xf32, #tpu.memory_space<vmem>>, %arg7: memref<1x128xf32, #tpu.memory_space<vmem>>, %arg8: memref<1x1xf32, #tpu.memory_space<vmem>>, %arg9: memref<1000x128xf32, #tpu.memory_space<vmem>>, %arg10: memref<1000x1xf32, #tpu.memory_space<vmem>>) attributes {dimension_semantics = [#tpu.dimension_semantics<arbitrary>], iteration_bounds = array<i64: 10>, scalar_prefetch = 0 : i64, scratch_operands = 0 : i64, tpu.core_type = #tpu.core_type<tc>, window_params = [{transform_indices = @transform_0, window_bounds = array<i64: 1000, 32>}, {transform_indices = @transform_1, window_bounds = array<i64: 1000, 1>}, {pipeline_mode = #tpu.pipeline_mode<synchronous>, transform_indices = @transform_2, window_bounds = array<i64: 512, 33>}, {pipeline_mode = #tpu.pipeline_mode<synchronous>, transform_indices = @transform_3, window_bounds = array<i64: 32, 32>}, {pipeline_mode = #tpu.pipeline_mode<synchronous>, transform_indices = @transform_4, window_bounds = array<i64: 1, 32>}, {pipeline_mode = #tpu.pipeline_mode<synchronous>, transform_indices = @transform_5, window_bounds = array<i64: 32, 128>}, {pipeline_mode = #tpu.pipeline_mode<synchronous>, transform_indices = @transform_6, window_bounds = array<i64: 1, 128>}, {pipeline_mode = #tpu.pipeline_mode<synchronous>, transform_indices = @transform_7, window_bounds = array<i64: 1, 1>}, {transform_indices = @transform_8, window_bounds = array<i64: 1000, 128>}, {transform_indices = @transform_9, window_bounds = array<i64: 1000, 1>}]} {
    %get3A = arith.constant 0 : index
    %get3A_0 = arith.constant 0 : index
    %get3A_1 = vector.load %arg2[%get3A, %get3A_0] : memref<1000x1xi32, #tpu.memory_space<vmem>>, vector<1000x1xi32>
    %iota3A = tpu.iota {dimensions = array<i32: 1>} : vector<1000x512xi32>
    %eq3A = vector.broadcast %get3A_1 : vector<1000x1xi32> to vector<1000x512xi32>
    %eq3A_2 = arith.cmpi eq, %eq3A, %iota3A : vector<1000x512xi32>
    %convert_element_type3A = arith.extui %eq3A_2 : vector<1000x512xi1> to vector<1000x512xi32>
    %convert_element_type3A_3 = arith.sitofp %convert_element_type3A : vector<1000x512xi32> to vector<1000x512xf32>
    %get3A_4 = arith.constant 0 : index
    %get3A_5 = arith.constant 0 : index
    %get3A_6 = vector.load %arg3[%get3A_4, %get3A_5] : memref<512x33xf32, #tpu.memory_space<vmem>>, vector<512x33xf32>
    %dot_general3A = arith.constant dense<0.000000e+00> : vector<1000x33xf32>
    %dot_general3A_7 = tpu.matmul %convert_element_type3A_3, %get3A_6, %dot_general3A {dimension_numbers = #tpu.dot_dimension_numbers<[1], [0], [0], [1], [0, 0, 1, 1], [], []>, transpose_lhs_hint = false} : vector<1000x512xf32>, vector<512x33xf32>, vector<1000x33xf32> -> vector<1000x33xf32>
    %get3A_8 = arith.constant 0 : index
    %get3A_9 = arith.constant 0 : index
    %get3A_10 = vector.load %arg1[%get3A_8, %get3A_9] : memref<1000x32xf32, #tpu.memory_space<vmem>>, vector<1000x32xf32>
    %get3A_11 = arith.constant 0 : index
    %get3A_12 = arith.constant 0 : index
    %get3A_13 = vector.load %arg4[%get3A_11, %get3A_12] : memref<32x32xf32, #tpu.memory_space<vmem>>, vector<32x32xf32>
    %dot_general3A_14 = arith.constant dense<0.000000e+00> : vector<1000x32xf32>
    %dot_general3A_15 = tpu.matmul %get3A_10, %get3A_13, %dot_general3A_14 {dimension_numbers = #tpu.dot_dimension_numbers<[1], [0], [0], [1], [0, 0, 1, 1], [], []>, transpose_lhs_hint = false} : vector<1000x32xf32>, vector<32x32xf32>, vector<1000x32xf32> -> vector<1000x32xf32>
    %slice3A = vector.extract_strided_slice %dot_general3A_7 {offsets = [0, 0], sizes = [1000, 32], strides = [1, 1]} : vector<1000x33xf32> to vector<1000x32xf32>
    %add3A = arith.addf %dot_general3A_15, %slice3A : vector<1000x32xf32>
    %get3A_16 = arith.constant 0 : index
    %get3A_17 = arith.constant 0 : index
    %get3A_18 = vector.load %arg5[%get3A_16, %get3A_17] : memref<1x32xf32, #tpu.memory_space<vmem>>, vector<1x32xf32>
    %add3A_19 = vector.broadcast %get3A_18 : vector<1x32xf32> to vector<1000x32xf32>
    %add3A_20 = arith.addf %add3A, %add3A_19 : vector<1000x32xf32>
    %max3A = arith.constant 0.000000e+00 : f32
    %max3A_21 = vector.broadcast %max3A : f32 to vector<1000x32xf32>
    %max3A_22 = arith.maximumf %add3A_20, %max3A_21 : vector<1000x32xf32>
    %get3A_23 = arith.constant 0 : index
    %get3A_24 = arith.constant 0 : index
    %get3A_25 = vector.load %arg6[%get3A_23, %get3A_24] : memref<32x128xf32, #tpu.memory_space<vmem>>, vector<32x128xf32>
    %dot_general3A_26 = arith.constant dense<0.000000e+00> : vector<1000x128xf32>
    %dot_general3A_27 = tpu.matmul %max3A_22, %get3A_25, %dot_general3A_26 {dimension_numbers = #tpu.dot_dimension_numbers<[1], [0], [0], [1], [0, 0, 1, 1], [], []>, transpose_lhs_hint = false} : vector<1000x32xf32>, vector<32x128xf32>, vector<1000x128xf32> -> vector<1000x128xf32>
    %get3A_28 = arith.constant 0 : index
    %get3A_29 = arith.constant 0 : index
    %get3A_30 = vector.load %arg7[%get3A_28, %get3A_29] : memref<1x128xf32, #tpu.memory_space<vmem>>, vector<1x128xf32>
    %add3A_31 = vector.broadcast %get3A_30 : vector<1x128xf32> to vector<1000x128xf32>
    %add3A_32 = arith.addf %dot_general3A_27, %add3A_31 : vector<1000x128xf32>
    %reduce_max3A = arith.constant dense<0xFF800000> : vector<1000xf32>
    %reduce_max3A_33 = vector.multi_reduction <maximumf>, %add3A_32, %reduce_max3A [1] : vector<1000x128xf32> to vector<1000xf32>
    %broadcast_in_dim3A = vector.shape_cast %reduce_max3A_33 : vector<1000xf32> to vector<1000x1xf32>
    %sub3A = vector.broadcast %broadcast_in_dim3A : vector<1000x1xf32> to vector<1000x128xf32>
    %sub3A_34 = arith.subf %add3A_32, %sub3A : vector<1000x128xf32>
    %exp3A = math.exp %sub3A_34 : vector<1000x128xf32>
    %reduce_sum3A = arith.constant dense<0.000000e+00> : vector<1000xf32>
    %reduce_sum3A_35 = vector.multi_reduction <add>, %exp3A, %reduce_sum3A [1] : vector<1000x128xf32> to vector<1000xf32>
    %broadcast_in_dim3A_36 = vector.shape_cast %reduce_sum3A_35 : vector<1000xf32> to vector<1000x1xf32>
    %log3A = math.log %broadcast_in_dim3A_36 : vector<1000x1xf32>
    %add3A_37 = arith.addf %broadcast_in_dim3A, %log3A : vector<1000x1xf32>
    %sub3A_38 = vector.broadcast %add3A_37 : vector<1000x1xf32> to vector<1000x128xf32>
    %sub3A_39 = arith.subf %add3A_32, %sub3A_38 : vector<1000x128xf32>
    %swap3A = arith.constant 0 : index
    %swap3A_40 = arith.constant 0 : index
    %swap3A_41 = vector.load %arg9[%swap3A, %swap3A_40] : memref<1000x128xf32, #tpu.memory_space<vmem>>, vector<1000x128xf32>
    tpu.vector_store %arg9[%swap3A, %swap3A_40], %sub3A_39 {strides = array<i32>} : memref<1000x128xf32, #tpu.memory_space<vmem>>, vector<1000x128xf32>,
    %slice3A_42 = vector.extract_strided_slice %dot_general3A_7 {offsets = [0, 32], sizes = [1000, 1], strides = [1, 1]} : vector<1000x33xf32> to vector<1000x1xf32>
    %get3A_43 = arith.constant 0 : index
    %get3A_44 = arith.constant 0 : index
    %get3A_45 = vector.load %arg8[%get3A_43, %get3A_44] : memref<1x1xf32, #tpu.memory_space<vmem>>, vector<1x1xf32>
    %add3A_46 = vector.broadcast %get3A_45 : vector<1x1xf32> to vector<1000x1xf32>
    %add3A_47 = arith.addf %slice3A_42, %add3A_46 : vector<1000x1xf32>
    %logistic3A = arith.negf %add3A_47 : vector<1000x1xf32>
    %logistic3A_48 = math.exp %logistic3A : vector<1000x1xf32>
    %logistic3A_49 = arith.constant 1.000000e+00 : f32
    %logistic3A_50 = vector.broadcast %logistic3A_49 : f32 to vector<1000x1xf32>
    %logistic3A_51 = arith.addf %logistic3A_50, %logistic3A_48 : vector<1000x1xf32>
    %logistic3A_52 = arith.divf %logistic3A_50, %logistic3A_51 : vector<1000x1xf32>
    %swap3A_53 = arith.constant 0 : index
    %swap3A_54 = arith.constant 0 : index
    %swap3A_55 = vector.load %arg10[%swap3A_53, %swap3A_54] : memref<1000x1xf32, #tpu.memory_space<vmem>>, vector<1000x1xf32>
    tpu.vector_store %arg10[%swap3A_53, %swap3A_54], %logistic3A_52 {strides = array<i32>} : memref<1000x1xf32, #tpu.memory_space<vmem>>, vector<1000x1xf32>,
    return
  }
  func.func @transform_0(%arg0: i32) -> (i32, i32) {
    %c0_i32 = arith.constant 0 : i32
    %c0_i32_0 = arith.constant 0 : i32
    return %arg0, %c0_i32 : i32, i32
  }
  func.func @transform_1(%arg0: i32) -> (i32, i32) {
    %c0_i32 = arith.constant 0 : i32
    %c0_i32_0 = arith.constant 0 : i32
    return %arg0, %c0_i32 : i32, i32
  }
  func.func @transform_2(%arg0: i32) -> (i32, i32) {
    %c0_i32 = arith.constant 0 : i32
    %c0_i32_0 = arith.constant 0 : i32
    %c0_i32_1 = arith.constant 0 : i32
    return %c0_i32, %c0_i32_0 : i32, i32
  }
  func.func @transform_3(%arg0: i32) -> (i32, i32) {
    %c0_i32 = arith.constant 0 : i32
    %c0_i32_0 = arith.constant 0 : i32
    %c0_i32_1 = arith.constant 0 : i32
    return %c0_i32, %c0_i32_0 : i32, i32
  }
  func.func @transform_4(%arg0: i32) -> (i32, i32) {
    %c0_i32 = arith.constant 0 : i32
    %c0_i32_0 = arith.constant 0 : i32
    %c0_i32_1 = arith.constant 0 : i32
    return %c0_i32, %c0_i32_0 : i32, i32
  }
  func.func @transform_5(%arg0: i32) -> (i32, i32) {
    %c0_i32 = arith.constant 0 : i32
    %c0_i32_0 = arith.constant 0 : i32
    %c0_i32_1 = arith.constant 0 : i32
    return %c0_i32, %c0_i32_0 : i32, i32
  }
  func.func @transform_6(%arg0: i32) -> (i32, i32) {
    %c0_i32 = arith.constant 0 : i32
    %c0_i32_0 = arith.constant 0 : i32
    %c0_i32_1 = arith.constant 0 : i32
    return %c0_i32, %c0_i32_0 : i32, i32
  }
  func.func @transform_7(%arg0: i32) -> (i32, i32) {
    %c0_i32 = arith.constant 0 : i32
    %c0_i32_0 = arith.constant 0 : i32
    %c0_i32_1 = arith.constant 0 : i32
    return %c0_i32, %c0_i32_0 : i32, i32
  }
  func.func @transform_8(%arg0: i32) -> (i32, i32) {
    %c0_i32 = arith.constant 0 : i32
    %c0_i32_0 = arith.constant 0 : i32
    return %arg0, %c0_i32 : i32, i32
  }
  func.func @transform_9(%arg0: i32) -> (i32, i32) {
    %c0_i32 = arith.constant 0 : i32
    %c0_i32_0 = arith.constant 0 : i32
    return %arg0, %c0_i32 : i32, i32
  }
}

</mosaic_0001>

<sc_bundles>
// kernel: kernel.11.cloned.1.call-start
scs
__scs_entry_jumppad:
0x0: {  	(pc) =	sbr.rel $0x88, $3  }
0x1: {  	(tag) =	ssettag $0x0;
	lr =	simm.s32 $0x1  }
0x2: {  	[smem:$0x3F8F] =	sst lr;
	_ =	strace $0xD0000000  }
0x3: {  	_ = 	snop  }
0x4: {  	_ = 	snop  }
0x5: {  	_ = 	snop  }
0x6: {  	_ = 	snop  }
0x7: {  	_ = 	snop  }
__scs_overlays_trampoline_lowered:
0x8: {  	[smem:$0x3F9E] =	sst s0  }
0x9: {  	[smem:$0x3F9F] =	sst s1  }
0xa: {  	[smem:$0x3FA0] =	sst s2  }
0xb: {  	[smem:$0x3FA1] =	sst s3  }
0xc: {  	[smem:$0x3FA2] =	sst s4  }
0xd: {  	[smem:$0x3FA3] =	sst s5  }
0xe: {  	[smem:$0x3FA4] =	sst s6  }
0xf: {  	[smem:$0x3FA5] =	sst s7  }
0x10: {  	[smem:$0x3FA6] =	sst s8  }
0x11: {  	[smem:$0x3FA7] =	sst s9;
	s0 =	simm.s32 @!p0 $0x0  }
0x12: {  	s1 =	sld [smem:$0x3F8D];
	s0 =	simm.s32 @p0 $0x1  }
0x13: {  	[smem:$0x3FA8] =	sst s0;
	s0 =	simm.s32 @!p1 $0x0  }
0x14: {  	s2 =	sld [smem:$0x3F8C];
	s0 =	simm.s32 @p1 $0x1  }
0x15: {  	[smem:$0x3FA9] =	sst s0;
	s0 =	simm.s32 @!p2 $0x0  }
0x16: {  	s3 =	sld [smem:$0x3FDB];
	s0 =	simm.s32 @p2 $0x1  }
0x17: {  	s4 =	simm.s32 $0x1BF5;
	[smem:$0x3FAB] =	sst s0  }
0x18: {  	s0 =	sld [smem:$0x3F8E];
	_ =	swait.ge [sflag:s4], $0x0  }
0x19: {  	s7 =	sld [smem:$0x3F8F]  }
0x1a: {  	s8 =	sadd.s32 $0xFFFFE003, lr  }
0x1b: {  	s9 =	sadd.s32 $0xFFFFFEF7, lr;
	s5 =	simm.s32 $0xFFFFFFFF;
	p2 =	slt.u32 s8, $0xFFFFF086  }
0x1c: {  	p1 =	slt.u32 s9, $0xF7A;
	s5 =	simm.s32 @!p2 $0x0  }
0x1d: {  	s5 =	simm.s32 @p1 $0x1;
	p0 =	seq.s32 s7, s2  }
0x1e: {  	s7 =	smul.u32 @!p0 $0xF7A, s2;
	p2 =	seq.s32 @!p0 s5, $0x0  }
0x1f: {  	s9 =	smul.u32 $0xF7A, s1;
	s8 =	simm.s32 @!p0 $0x1BF5;
	p2 =	por !p2, p0  }
0x20: {  	[sflag:s8] =	ssyncset.s32 @!p0 $0xFFFFF086;
	s6 =	sadd.s32 @!p0 s3, s7;
	s7 =	simm.s32 @!p0 $0x108  }
0x21: {  	s3 =	sadd.s32 s3, s9;
	s6 =	sadd.s32 @!p0 $0x88, s6;
	s7 =	simm.s32 @p2 $0x1082  }
0x22: {  	[simem:s7], [sflag:s8] =	dma.local @!p0 [hbm:s6], $0xF7A  }
0x23: {  	s9 =	sor.u32 $0xD0000000, s2;
	s6 =	simm.s32 $0x108;
	_ =	swait.ge @!p0 [sflag:s8], $0x0  }
0x24: {  	s3 =	sadd.s32 $0x88, s3;
	s6 =	simm.s32 @!p1 $0x1082;
	[sflag:s4] =	ssyncset.s32 $0xFFFFF086  }
0x25: {  	[simem:s6], [sflag:s4] =	dma.local [hbm:s3], $0xF7A  }
0x26: {  	[smem:$0x3F8F] =	sst s1;
	(tag) =	ssettag s2;
	_ =	strace s9  }
0x27: {  	s1 =	sld [smem:$0x3F9F]  }
0x28: {  	s2 =	sld [smem:$0x3FA0]  }
0x29: {  	s4 =	sld [smem:$0x3FA2]  }
0x2a: {  	p0 =	seq.s32 s5, $0x0;
	s5 =	sld [smem:$0x3FA3]  }
0x2b: {  	s6 =	sld [smem:$0x3FA4]  }
0x2c: {  	s7 =	sld [smem:$0x3FA5]  }
0x2d: {  	s3 =	simm.s32 $0x108;
	s8 =	sld [smem:$0x3FA6]  }
0x2e: {  	s3 =	simm.s32 @!p0 $0x1082;
	s9 =	sld [smem:$0x3FA7]  }
0x2f: {  	lr =	sadd.s32 s0, s3;
	s0 =	sld [smem:$0x3F9E]  }
0x30: {  	s3 =	sld [smem:$0x3FA1]  }
0x31: {  	[smem:$0x3FAA] =	sst s10  }
0x32: {  	s10 =	sld [smem:$0x3FA8];
	_ =	sdelay $0x3  }
0x33: {  	p0 =	seq.s32 s10, $0x1;
	s10 =	sld [smem:$0x3FAA];
	_ =	sdelay $0x3  }
0x34: {  	[smem:$0x3FAA] =	sst s10  }
0x35: {  	s10 =	sld [smem:$0x3FA9];
	_ =	sdelay $0x3  }
0x36: {  	p1 =	seq.s32 s10, $0x1;
	s10 =	sld [smem:$0x3FAA];
	_ =	sdelay $0x3  }
0x37: {  	[smem:$0x3FAA] =	sst s10  }
0x38: {  	s10 =	sld [smem:$0x3FAB]  }
0x39: {  	_ = 	snop;
	(pc) =	sbr.ind lr, $3  }
0x3a: {  	_ = 	snop  }
0x3b: {  	_ = 	snop  }
0x3c: {  	p2 =	seq.s32 s10, $0x1;
	s10 =	sld [smem:$0x3FAA]  }
0x3d: {  	_ =	shalt  }
0x3e: {  	_ =	shalt  }
0x3f: {  	_ =	shalt  }
0x40: {  	_ =	shalt  }
0x41: {  	_ =	shalt  }
0x42: {  	_ =	shalt  }
0x43: {  	_ =	shalt  }
0x44: {  	_ =	shalt  }
0x45: {  	_ =	shalt  }
0x46: {  	_ =	shalt  }
0x47: {  	_ =	shalt  }
0x48: {  	_ =	shalt  }
0x49: {  	_ =	shalt  }
0x4a: {  	_ =	shalt  }
0x4b: {  	_ =	shalt  }
0x4c: {  	_ =	shalt  }
0x4d: {  	_ =	shalt  }
0x4e: {  	_ =	shalt  }
0x4f: {  	_ =	shalt  }
0x50: {  	_ =	shalt  }
0x51: {  	_ =	shalt  }
0x52: {  	_ =	shalt  }
0x53: {  	_ =	shalt  }
0x54: {  	_ =	shalt  }
0x55: {  	_ =	shalt  }
0x56: {  	_ =	shalt  }
0x57: {  	_ =	shalt  }
0x58: {  	_ =	shalt  }
0x59: {  	_ =	shalt  }
0x5a: {  	_ =	shalt  }
0x5b: {  	_ =	shalt  }
0x5c: {  	_ =	shalt  }
0x5d: {  	_ =	shalt  }
0x5e: {  	_ =	shalt  }
0x5f: {  	_ =	shalt  }
0x60: {  	_ =	shalt  }
0x61: {  	_ =	shalt  }
0x62: {  	_ =	shalt  }
0x63: {  	_ =	shalt  }
0x64: {  	_ =	shalt  }
0x65: {  	_ =	shalt  }
0x66: {  	_ =	shalt  }
0x67: {  	_ =	shalt  }
0x68: {  	_ =	shalt  }
0x69: {  	_ =	shalt  }
0x6a: {  	_ =	shalt  }
0x6b: {  	_ =	shalt  }
0x6c: {  	_ =	shalt  }
0x6d: {  	_ =	shalt  }
0x6e: {  	_ =	shalt  }
0x6f: {  	_ =	shalt  }
0x70: {  	_ =	shalt  }
0x71: {  	_ =	shalt  }
0x72: {  	_ =	shalt  }
0x73: {  	_ =	shalt  }
0x74: {  	_ =	shalt  }
0x75: {  	_ =	shalt  }
0x76: {  	_ =	shalt  }
0x77: {  	_ =	shalt  }
0x78: {  	_ =	shalt  }
0x79: {  	_ =	shalt  }
0x7a: {  	_ =	shalt  }
0x7b: {  	_ =	shalt  }
0x7c: {  	_ =	shalt  }
0x7d: {  	_ =	shalt  }
0x7e: {  	_ =	shalt  }
0x7f: {  	_ =	shalt  }
0x80: {  	_ =	shalt  }
0x81: {  	_ =	shalt  }
0x82: {  	_ =	shalt  }
0x83: {  	_ =	shalt  }
0x84: {  	_ =	shalt  }
0x85: {  	_ =	shalt  }
0x86: {  	_ =	shalt  }
0x87: {  	_ =	shalt  }
.Lfunc_end0:
.L_simem_size_0:
called_computation.1_lowered:
.L_overlay_start_0:
0x88: {  	s2 =	sld [smem:$0x3FD9]  }
0x89: {  	s3 =	sld [smem:$0x3FFE];
	_ =	sdelay $0x1  }
0x8a: {  	s1 =	srdreg.scid  }
0x8b: {  	s0 =	sand.u32 $0x1, s1  }
0x8c: {  	s16 =	sshll.u32 s0, $0xA;
	s2 =	sadd.s32 s3, s2  }
0x8d: {  	s2 =	sadd.s32 s2, s16  }
0x8e: {  	[smem:$0x3FB6] =	sst s2  }
0x8f: {  	_ = 	snop  }
0x90: {  	(tm) =	ssettm $0x1  }
0x91: {  	s17 =	sld [smem:$0x3FFB];
	_ =	sdelay $0x3  }
0x92: {  	_ =	strace s17  }
0x93: {  	s2 =	sld [smem:$0x3FFC];
	_ =	sdelay $0x3  }
0x94: {  	_ =	strace s2  }
0x95: {  	s2 =	sld [smem:$0x3FFD];
	_ =	sdelay $0x3  }
0x96: {  	_ =	strace s2  }
0x97: {  	_ =	strace $0x8FFFFFFF  }
0x98: {  	s18 =	sld [smem:$0x3FDB];
	_ =	sdelay $0x1  }
0x99: {  	s19 =	simm.s32 $_scs_section_size  }
0x9a: {  	s4 =	simm.s32 $_size__tile_overlayer_lowered;
	s5 =	simm.s32 $_tile_overlayer_lowered  }
0x9b: {  	s22 =	simm.s32 $0x1BFF;
	s21 =	sshll.u32 s5, $0x1;
	s2 =	sadd.s32 s19, s18  }
0x9c: {  	s6 =	simm.s32 $0x0;
	s20 =	sshll.u32 s4, $0x1;
	s4 =	sadd.s32 s21, s2  }
0x9d: {  	[timem:s6], [sflag:s22] =	dma.local [hbm:s4], s20  }
0x9e: {  	_ =	swait.ge [sflag:s22], s20  }
0x9f: {  	s3 =	ssub.s32 $0x0, s20;
	[sflag:s22] =	ssyncset.done $0x0  }
0xa0: {  	[sflag:s22] =	ssyncadd.s32 s3;
	_ =	sdelay $0x1  }
0xa1: {  	s23 =	simm.s32 $0x1B8B  }
0xa2: {  	_ =	swait.ge [sflag:s23], $0x1  }
0xa3: {  	[sflag:s23] =	ssyncset.done $0x0  }
0xa4: {  	s25 =	simm.s32 $0x1B8E;
	s24 =	sld [smem:$0x3FFE];
	[sflag:s23] =	ssyncadd.s32 $0xFFFFFFFF  }
0xa5: {  	s26 =	simm.s32 $execute0_lowered;
	[smem:$0x3FD2] =	sst s25  }
0xa6: {  	s4 =	sshll.u32 s26, $0x1;
	_ =	strace $0x80000049;
	[dreg:$0x1] =	wrdreg $0xFFFFFFFF  }
0xa7: {  	s28 =	simm.s32 $_size_execute0_lowered;
	s2 =	sadd.s32 s2, s4;
	[dreg:$0x0] =	wrdreg $0x0  }
0xa8: {  	s4 =	sshll.u32 s28, $0x1;
	[dreg:$0x2] =	wrdreg s2  }
0xa9: {  	[dreg:$0x3] =	wrdreg s4  }
0xaa: {  	[dreg:$0x4] =	wrdreg $0xC0  }
0xab: {  	_ =	task [dreg:s6], $0x5FFFF  }
0xac: {  	[dreg:$0x1] =	wrdreg $0xFFFFFFFF  }
0xad: {  	[dreg:$0x0] =	wrdreg $0x60  }
0xae: {  	[dreg:$0x2] =	wrdreg s24  }
0xaf: {  	[dreg:$0x3] =	wrdreg $0xB0400  }
0xb0: {  	[dreg:$0x4] =	wrdreg $0x9  }
0xb1: {  	_ =	task.clear_ibuf [dreg:s6], $0x5FFFF;
	_ =	strace $0x90000049  }
0xb2: {  	s29 =	simm.s32 $0x9;
	_ =	strace $0x8000004B  }
0xb3: {  	_ =	swait.ge [sflag:s29], $0x1  }
0xb4: {  	[sflag:s29] =	ssyncadd.s32 $0xFFFFFFFF  }
0xb5: {  	_ =	strace $0x9000004B  }
0xb6: {  	_ =	sfence  }
0xb7: {  	s30 =	sld [smem:$0x0];
	_ =	sdelay $0x2  }
0xb8: {  	s31 =	sshll.u32 s1, $0xD;
	s1 =	sshrl.u32 s1, $0x2  }
0xb9: {  	s3 =	sand.u32 $0x4000, s31;
	s1 =	sadd.s32 s1, s30  }
0xba: {  	s0 =	sor.u32 s3, s0;
	s1 =	sshll.u32 s1, $0x11  }
0xbb: {  	s0 =	sor.u32 s1, s0  }
0xbc: {  	s0 =	sadd.s32 $0x8F2B, s0  }
0xbd: {  	[sflag:s0] =	ssyncadd.remote.s32 $0x1  }
0xbe: {  	_ =	sfence.sel $0xFFFF  }
0xbf: {  	[dreg:$0x0] =	wrdreg $0xFFFFFFFF;
	(pc) =	sbr.abs _section_cstart, $3  }
0xc0: {  	[dreg:$0x1] =	wrdreg $0xFFFFFFFF  }
0xc1: {  	_ =	task.clear_ibuf [dreg:s6], $0x2FFFF;
	_ =	strace $0x9FFFFFFF  }
0xc2: {  	(tm) =	ssettm $0x7FFFFFFF  }
0xc3: {  	_ =	shalt  }
tec
execute0_lowered:
.L_overlay_start_1:
0x0: {  	(tag) =	ssettag $0x1  }
0x1: {  	s0 =	stileid.u32  }
0x2: {  	s1 =	srdreg.scid;
	s6 =	rddreg [dreg:$0x0]  }
0x3: {  	s2 =	rddreg [dreg:$0x1];
	s3 =	simm.s32 $0x0;
	s14 =	simm.s32 $0x2788  }
0x4: {  	s15 =	simm.s32 $0x3B10;
	s16 =	simm.s32 $0x4E98;
	s17 =	simm.s32 $0x6220  }
0x5: {  	s18 =	simm.s32 $0x75A8;
	s19 =	simm.s32 $0x8930;
	s20 =	simm.s32 $0x9CB8  }
0x6: {  	s21 =	simm.s32 $0x0;
	s5 =	sand.u32 $0x1, s1;
	s4 =	smul.u32 $0xC350, s0  }
0x7: {  	s29 =	sshll.u32 s0, $0x1;
	s8 =	smul.u32 $0x6400, s0;
	[smem:$0x7FF] =	sst s3  }
0x8: {  	s31 =	sshll.u32 s0, $0x6;
	s1 =	sor.u32 s5, s29;
	s9 =	smul.u32 $0x64000, s5  }
0x9: {  	s11 =	ssub.s32 $0x2, s5;
	s12 =	smul.u32 $0x61A8, s5;
	s5 =	sor.u32 $0x1C01, s31  }
0xa: {  	s7 =	smul.u32 $0x280, s1;
	s1 =	rddreg [dreg:$0x2];
	_ =	strace $0x8000004A  }
0xb: {  	s10 =	sadd.s32 s4, s6;
	s4 =	sadd.s32 $0x3200, s6;
	s30 =	sshrl.u32 s11, $0x1  }
0xc: {  	s13 =	sadd.s32 s8, s2;
	s9 =	sadd.s32 s8, s9;
	s11 =	ssub.s32 s11, s30  }
0xd: {  	s10 =	sadd.s32 s12, s10;
	s12 =	simm.s32 $0x1400;
	s9 =	sshrl.u32 s9, $0x3  }
0xe: {  	s7 =	sadd.s32 s7, s6;
	s8 =	smax.u32 s11, $0x1;
	s9 =	sadd.s32 s9, s6  }
0xf: {  	s11 =	simm.s32 $0x1;
	s6 =	sadd.s32 $0x2CC400, s7;
	s7 =	sadd.s32 $0x4000, s9  }
0x10: {  	s9 =	sadd.s32 $0x2D1400, s10;
	s10 =	sshrl.u32 s13, $0x3;
	s13 =	simm.s32 $0x7D  }
.LBB2_1:
0x11: {  	[spmem:s10], [sflag:s5] =	dma.local [hbm:s4], $0xC80  }
0x12: {  	_ =	swait.ge [sflag:s11], $0xC80  }
0x13: {  	[sflag:s11] =	ssyncset.done $0x0  }
0x14: {  	[sflag:s11] =	ssyncadd.s32 $0xFFFFF380  }
0x15: {  	[bflag:$0x0] =	sbarrier.arrive $0xFFFF  }
0x16: {  	[tilespmem:s3], [sflag:$0x1] =	stream.linear.gather [hbm4b:s6+s3], $0x1400, $0x38;
	[tilespmem:$0x11440] =	vst v63  }
0x17: {  	_ =	swait.ge [sflag:s11], $0x1400  }
0x18: {  	[sflag:s11] =	ssyncset.done $0x0  }
0x19: {  	[sflag:s11] =	ssyncadd.s32 $0xFFFFEC00  }
0x1a: {  	[tilespmem:s12], [sflag:$0x1] =	stream.linear.gather [hbm4b:s9+s3], $0x9C40, $0x38;
	[tilespmem:$0x11440] =	vst v63  }
0x1b: {  	_ =	swait.ge [sflag:s11], $0x9C40  }
0x1c: {  	[sflag:s11] =	ssyncset.done $0x0  }
0x1d: {  	s22 =	simm.s32 $0x0;
	[sflag:s11] =	ssyncadd.s32 $0xFFFF63C0  }
0x1e: {  	[spmem:s2] =	stream.indirect.scatter.add.f32 [tilespmem:s12], [sflag:$0x1], $0x28, s22, s13, $0xb8;
	[tilespmem:$0x11440] =	vst v63  }
0x1f: {  	_ =	swait.ge [sflag:s11], $0x1388  }
0x20: {  	[sflag:s11] =	ssyncset.done $0x0  }
0x21: {  	s24 =	simm.s32 $0x80;
	[sflag:s11] =	ssyncadd.s32 $0xFFFFEC78  }
0x22: {  	[spmem:s2] =	stream.indirect.scatter.add.f32 [tilespmem:s14], [sflag:$0x1], $0x28, s24, s13, $0xb8;
	[tilespmem:$0x11440] =	vst v63  }
0x23: {  	_ =	swait.ge [sflag:s11], $0x1388  }
0x24: {  	[sflag:s11] =	ssyncset.done $0x0  }
0x25: {  	s25 =	simm.s32 $0x100;
	[sflag:s11] =	ssyncadd.s32 $0xFFFFEC78  }
0x26: {  	[spmem:s2] =	stream.indirect.scatter.add.f32 [tilespmem:s15], [sflag:$0x1], $0x28, s25, s13, $0xb8;
	[tilespmem:$0x11440] =	vst v63  }
0x27: {  	_ =	swait.ge [sflag:s11], $0x1388  }
0x28: {  	[sflag:s11] =	ssyncset.done $0x0  }
0x29: {  	s26 =	simm.s32 $0x180;
	[sflag:s11] =	ssyncadd.s32 $0xFFFFEC78  }
0x2a: {  	[spmem:s2] =	stream.indirect.scatter.add.f32 [tilespmem:s16], [sflag:$0x1], $0x28, s26, s13, $0xb8;
	[tilespmem:$0x11440] =	vst v63  }
0x2b: {  	_ =	swait.ge [sflag:s11], $0x1388  }
0x2c: {  	[sflag:s11] =	ssyncset.done $0x0  }
0x2d: {  	s28 =	simm.s32 $0x200;
	[sflag:s11] =	ssyncadd.s32 $0xFFFFEC78  }
0x2e: {  	[spmem:s2] =	stream.indirect.scatter.add.f32 [tilespmem:s17], [sflag:$0x1], $0x28, s28, s13, $0xb8;
	[tilespmem:$0x11440] =	vst v63  }
0x2f: {  	_ =	swait.ge [sflag:s11], $0x1388  }
0x30: {  	[sflag:s11] =	ssyncset.done $0x0  }
0x31: {  	s29 =	simm.s32 $0x280;
	[sflag:s11] =	ssyncadd.s32 $0xFFFFEC78  }
0x32: {  	[spmem:s2] =	stream.indirect.scatter.add.f32 [tilespmem:s18], [sflag:$0x1], $0x28, s29, s13, $0xb8;
	[tilespmem:$0x11440] =	vst v63  }
0x33: {  	_ =	swait.ge [sflag:s11], $0x1388  }
0x34: {  	[sflag:s11] =	ssyncset.done $0x0  }
0x35: {  	s30 =	simm.s32 $0x300;
	[sflag:s11] =	ssyncadd.s32 $0xFFFFEC78  }
0x36: {  	[spmem:s2] =	stream.indirect.scatter.add.f32 [tilespmem:s19], [sflag:$0x1], $0x28, s30, s13, $0xb8;
	[tilespmem:$0x11440] =	vst v63  }
0x37: {  	_ =	swait.ge [sflag:s11], $0x1388  }
0x38: {  	[sflag:s11] =	ssyncset.done $0x0  }
0x39: {  	s31 =	simm.s32 $0x380;
	[sflag:s11] =	ssyncadd.s32 $0xFFFFEC78  }
0x3a: {  	[spmem:s2] =	stream.indirect.scatter.add.f32 [tilespmem:s20], [sflag:$0x1], $0x28, s31, s13, $0xb8;
	[tilespmem:$0x11440] =	vst v63  }
0x3b: {  	_ =	swait.ge [sflag:s11], $0x1388  }
0x3c: {  	s23 =	smov.u32 s9;
	s22 =	simm.s32 $0x1000;
	[sflag:s11] =	ssyncset.done $0x0  }
.LBB2_2:
0x3d: {  	p0 =	sne.s32 s22, $0x4000;
	[sflag:s11] =	ssyncadd.s32 $0xFFFFEC78;
	s23 =	sadd.s32 $0x1388, s23  }
0x3e: {  	[tilespmem:s12], [sflag:$0x1] =	stream.linear.gather [hbm4b:s23+s3], $0x9C40, $0x38;
	[tilespmem:$0x11440] =	vst v63  }
0x3f: {  	s24 =	smov.u32 s22;
	s22 =	sadd.s32 $0x1000, s22;
	_ =	swait.ge [sflag:s11], $0x9C40  }
0x40: {  	[sflag:s11] =	ssyncset.done $0x0  }
0x41: {  	s24 =	sshra.s32 s24, $0x2;
	[sflag:s11] =	ssyncadd.s32 $0xFFFF63C0  }
0x42: {  	[spmem:s2] =	stream.indirect.scatter.add.f32 [tilespmem:s12], [sflag:$0x1], $0x28, s24, s13, $0xb8;
	[tilespmem:$0x11440] =	vst v63  }
0x43: {  	_ =	swait.ge [sflag:s11], $0x1388  }
0x44: {  	[sflag:s11] =	ssyncset.done $0x0  }
0x45: {  	s25 =	sadd.s32 $0x80, s24;
	[sflag:s11] =	ssyncadd.s32 $0xFFFFEC78  }
0x46: {  	[spmem:s2] =	stream.indirect.scatter.add.f32 [tilespmem:s14], [sflag:$0x1], $0x28, s25, s13, $0xb8;
	[tilespmem:$0x11440] =	vst v63  }
0x47: {  	_ =	swait.ge [sflag:s11], $0x1388  }
0x48: {  	[sflag:s11] =	ssyncset.done $0x0  }
0x49: {  	s25 =	sadd.s32 $0x100, s24;
	[sflag:s11] =	ssyncadd.s32 $0xFFFFEC78  }
0x4a: {  	[spmem:s2] =	stream.indirect.scatter.add.f32 [tilespmem:s15], [sflag:$0x1], $0x28, s25, s13, $0xb8;
	[tilespmem:$0x11440] =	vst v63  }
0x4b: {  	_ =	swait.ge [sflag:s11], $0x1388  }
0x4c: {  	[sflag:s11] =	ssyncset.done $0x0  }
0x4d: {  	s25 =	sadd.s32 $0x180, s24;
	[sflag:s11] =	ssyncadd.s32 $0xFFFFEC78  }
0x4e: {  	[spmem:s2] =	stream.indirect.scatter.add.f32 [tilespmem:s16], [sflag:$0x1], $0x28, s25, s13, $0xb8;
	[tilespmem:$0x11440] =	vst v63  }
0x4f: {  	_ =	swait.ge [sflag:s11], $0x1388  }
0x50: {  	[sflag:s11] =	ssyncset.done $0x0  }
0x51: {  	s25 =	sadd.s32 $0x200, s24;
	[sflag:s11] =	ssyncadd.s32 $0xFFFFEC78  }
0x52: {  	[spmem:s2] =	stream.indirect.scatter.add.f32 [tilespmem:s17], [sflag:$0x1], $0x28, s25, s13, $0xb8;
	[tilespmem:$0x11440] =	vst v63  }
0x53: {  	_ =	swait.ge [sflag:s11], $0x1388  }
0x54: {  	[sflag:s11] =	ssyncset.done $0x0  }
0x55: {  	s25 =	sadd.s32 $0x280, s24;
	[sflag:s11] =	ssyncadd.s32 $0xFFFFEC78  }
0x56: {  	[spmem:s2] =	stream.indirect.scatter.add.f32 [tilespmem:s18], [sflag:$0x1], $0x28, s25, s13, $0xb8;
	[tilespmem:$0x11440] =	vst v63  }
0x57: {  	_ =	swait.ge [sflag:s11], $0x1388  }
0x58: {  	[sflag:s11] =	ssyncset.done $0x0  }
0x59: {  	s25 =	sadd.s32 $0x300, s24;
	[sflag:s11] =	ssyncadd.s32 $0xFFFFEC78  }
0x5a: {  	[spmem:s2] =	stream.indirect.scatter.add.f32 [tilespmem:s19], [sflag:$0x1], $0x28, s25, s13, $0xb8;
	[tilespmem:$0x11440] =	vst v63  }
0x5b: {  	_ =	swait.ge [sflag:s11], $0x1388  }
.Ltmp0:
0x5c: {  	[sflag:s11] =	ssyncset.done $0x0;
	(pc) =	sbr.rel @p0 .LBB2_2-.Ltmp0, $4  }
0x5d: {  	s24 =	sadd.s32 $0x380, s24;
	[sflag:s11] =	ssyncadd.s32 $0xFFFFEC78  }
0x5e: {  	[spmem:s2] =	stream.indirect.scatter.add.f32 [tilespmem:s20], [sflag:$0x1], $0x28, s24, s13, $0xb8;
	[tilespmem:$0x11440] =	vst v63  }
0x5f: {  	_ =	swait.ge [sflag:s11], $0x1388  }
0x60: {  	[sflag:s11] =	ssyncset.done $0x0  }
0x61: {  	s21 =	sadd.s32 $0x1, s21  }
0x62: {  	[sflag:s11] =	ssyncadd.s32 $0xFFFFEC78;
	p0 =	sne.s32 s21, s8  }
.Ltmp1:
0x63: {  	[bflag:$0x0] =	sbarrier.arrive $0xFFFF;
	(pc) =	sbr.rel @p0 .LBB2_1-.Ltmp1, $4  }
0x64: {  	[hbm:s7], [sflag:s5] =	dma.local [spmem:s10], $0xC80  }
0x65: {  	_ =	swait.ge [sflag:s11], $0xC80  }
0x66: {  	[sflag:s11] =	ssyncset.done $0x0  }
0x67: {  	[sflag:s11] =	ssyncadd.s32 $0xFFFFF380  }
0x68: {  	_ =	sfence.sel $0x180000  }
0x69: {  	[bflag:$0x0] =	sbarrier.arrive $0xFFFF  }
0x6a: {  	p0 =	sne.s32 s0, $0x0;
	_ =	strace $0x9000004A  }
0x6b: {  	s0 =	sadd.s32 @!p0 $0x100000, s1;
	[bflag:$0x2] =	sbarrier.arrive $0xFFFF  }
0x6c: {  	[sflag:s0] =	ssyncadd.tile.s32 @!p0 $0x1;
	_ =	shalt  }
.Lfunc_end2:
_tile_overlayer_lowered:
.L_overlay_start_2:
0x6d: {  	(tag) =	ssettag $0x2  }
0x6e: {  	s0 =	rddreg [dreg:$0x0];
	s2 =	stileid.u32  }
0x6f: {  	s1 =	rddreg [dreg:$0x1];
	p0 =	sne.s32 s2, $0x0  }
0x70: {  	s3 =	rddreg [dreg:$0x2];
	[bflag:$0x3] =	sbarrier.arrive $0xFFFF;
	s2 =	simm.s32 @!p0 $0x1C01  }
0x71: {  	[timem:s3], [sflag:s2] =	dma.local @!p0 [hbm:s0], s1  }
0x72: {  	s0 =	simm.s32 @!p0 $0x1  }
0x73: {  	_ =	swait.ge @!p0 [sflag:s0], s1  }
0x74: {  	s1 =	ssub.s32 @!p0 $0x0, s1;
	[sflag:s0] =	ssyncset.done @!p0 $0x0  }
0x75: {  	[sflag:s0] =	ssyncadd.s32 @!p0 s1  }
0x76: {  	[bflag:$0x3] =	sbarrier.arrive $0xFFFF  }
0x77: {  	_ =	shalt  }

// kernel: kernel.8.cloned.1.call-start
scs
__scs_entry_jumppad:
0x0: {  	(pc) =	sbr.rel $0x88, $3  }
0x1: {  	(tag) =	ssettag $0x0;
	lr =	simm.s32 $0x1  }
0x2: {  	[smem:$0x3F8F] =	sst lr;
	_ =	strace $0xD0000000  }
0x3: {  	_ = 	snop  }
0x4: {  	_ = 	snop  }
0x5: {  	_ = 	snop  }
0x6: {  	_ = 	snop  }
0x7: {  	_ = 	snop  }
__scs_overlays_trampoline_lowered:
0x8: {  	[smem:$0x3F9E] =	sst s0  }
0x9: {  	[smem:$0x3F9F] =	sst s1  }
0xa: {  	[smem:$0x3FA0] =	sst s2  }
0xb: {  	[smem:$0x3FA1] =	sst s3  }
0xc: {  	[smem:$0x3FA2] =	sst s4  }
0xd: {  	[smem:$0x3FA3] =	sst s5  }
0xe: {  	[smem:$0x3FA4] =	sst s6  }
0xf: {  	[smem:$0x3FA5] =	sst s7  }
0x10: {  	[smem:$0x3FA6] =	sst s8  }
0x11: {  	[smem:$0x3FA7] =	sst s9;
	s0 =	simm.s32 @!p0 $0x0  }
0x12: {  	s1 =	sld [smem:$0x3F8D];
	s0 =	simm.s32 @p0 $0x1  }
0x13: {  	[smem:$0x3FA8] =	sst s0;
	s0 =	simm.s32 @!p1 $0x0  }
0x14: {  	s2 =	sld [smem:$0x3F8C];
	s0 =	simm.s32 @p1 $0x1  }
0x15: {  	[smem:$0x3FA9] =	sst s0;
	s0 =	simm.s32 @!p2 $0x0  }
0x16: {  	s3 =	sld [smem:$0x3FDB];
	s0 =	simm.s32 @p2 $0x1  }
0x17: {  	s4 =	simm.s32 $0x1BF5;
	[smem:$0x3FAB] =	sst s0  }
0x18: {  	s0 =	sld [smem:$0x3F8E];
	_ =	swait.ge [sflag:s4], $0x0  }
0x19: {  	s7 =	sld [smem:$0x3F8F]  }
0x1a: {  	s8 =	sadd.s32 $0xFFFFE003, lr  }
0x1b: {  	s9 =	sadd.s32 $0xFFFFFEF7, lr;
	s5 =	simm.s32 $0xFFFFFFFF;
	p2 =	slt.u32 s8, $0xFFFFF086  }
0x1c: {  	p1 =	slt.u32 s9, $0xF7A;
	s5 =	simm.s32 @!p2 $0x0  }
0x1d: {  	s5 =	simm.s32 @p1 $0x1;
	p0 =	seq.s32 s7, s2  }
0x1e: {  	s7 =	smul.u32 @!p0 $0xF7A, s2;
	p2 =	seq.s32 @!p0 s5, $0x0  }
0x1f: {  	s9 =	smul.u32 $0xF7A, s1;
	s8 =	simm.s32 @!p0 $0x1BF5;
	p2 =	por !p2, p0  }
0x20: {  	[sflag:s8] =	ssyncset.s32 @!p0 $0xFFFFF086;
	s6 =	sadd.s32 @!p0 s3, s7;
	s7 =	simm.s32 @!p0 $0x108  }
0x21: {  	s3 =	sadd.s32 s3, s9;
	s6 =	sadd.s32 @!p0 $0x88, s6;
	s7 =	simm.s32 @p2 $0x1082  }
0x22: {  	[simem:s7], [sflag:s8] =	dma.local @!p0 [hbm:s6], $0xF7A  }
0x23: {  	s9 =	sor.u32 $0xD0000000, s2;
	s6 =	simm.s32 $0x108;
	_ =	swait.ge @!p0 [sflag:s8], $0x0  }
0x24: {  	s3 =	sadd.s32 $0x88, s3;
	s6 =	simm.s32 @!p1 $0x1082;
	[sflag:s4] =	ssyncset.s32 $0xFFFFF086  }
0x25: {  	[simem:s6], [sflag:s4] =	dma.local [hbm:s3], $0xF7A  }
0x26: {  	[smem:$0x3F8F] =	sst s1;
	(tag) =	ssettag s2;
	_ =	strace s9  }
0x27: {  	s1 =	sld [smem:$0x3F9F]  }
0x28: {  	s2 =	sld [smem:$0x3FA0]  }
0x29: {  	s4 =	sld [smem:$0x3FA2]  }
0x2a: {  	p0 =	seq.s32 s5, $0x0;
	s5 =	sld [smem:$0x3FA3]  }
0x2b: {  	s6 =	sld [smem:$0x3FA4]  }
0x2c: {  	s7 =	sld [smem:$0x3FA5]  }
0x2d: {  	s3 =	simm.s32 $0x108;
	s8 =	sld [smem:$0x3FA6]  }
0x2e: {  	s3 =	simm.s32 @!p0 $0x1082;
	s9 =	sld [smem:$0x3FA7]  }
0x2f: {  	lr =	sadd.s32 s0, s3;
	s0 =	sld [smem:$0x3F9E]  }
0x30: {  	s3 =	sld [smem:$0x3FA1]  }
0x31: {  	[smem:$0x3FAA] =	sst s10  }
0x32: {  	s10 =	sld [smem:$0x3FA8];
	_ =	sdelay $0x3  }
0x33: {  	p0 =	seq.s32 s10, $0x1;
	s10 =	sld [smem:$0x3FAA];
	_ =	sdelay $0x3  }
0x34: {  	[smem:$0x3FAA] =	sst s10  }
0x35: {  	s10 =	sld [smem:$0x3FA9];
	_ =	sdelay $0x3  }
0x36: {  	p1 =	seq.s32 s10, $0x1;
	s10 =	sld [smem:$0x3FAA];
	_ =	sdelay $0x3  }
0x37: {  	[smem:$0x3FAA] =	sst s10  }
0x38: {  	s10 =	sld [smem:$0x3FAB]  }
0x39: {  	_ = 	snop;
	(pc) =	sbr.ind lr, $3  }
0x3a: {  	_ = 	snop  }
0x3b: {  	_ = 	snop  }
0x3c: {  	p2 =	seq.s32 s10, $0x1;
	s10 =	sld [smem:$0x3FAA]  }
0x3d: {  	_ =	shalt  }
0x3e: {  	_ =	shalt  }
0x3f: {  	_ =	shalt  }
0x40: {  	_ =	shalt  }
0x41: {  	_ =	shalt  }
0x42: {  	_ =	shalt  }
0x43: {  	_ =	shalt  }
0x44: {  	_ =	shalt  }
0x45: {  	_ =	shalt  }
0x46: {  	_ =	shalt  }
0x47: {  	_ =	shalt  }
0x48: {  	_ =	shalt  }
0x49: {  	_ =	shalt  }
0x4a: {  	_ =	shalt  }
0x4b: {  	_ =	shalt  }
0x4c: {  	_ =	shalt  }
0x4d: {  	_ =	shalt  }
0x4e: {  	_ =	shalt  }
0x4f: {  	_ =	shalt  }
0x50: {  	_ =	shalt  }
0x51: {  	_ =	shalt  }
0x52: {  	_ =	shalt  }
0x53: {  	_ =	shalt  }
0x54: {  	_ =	shalt  }
0x55: {  	_ =	shalt  }
0x56: {  	_ =	shalt  }
0x57: {  	_ =	shalt  }
0x58: {  	_ =	shalt  }
0x59: {  	_ =	shalt  }
0x5a: {  	_ =	shalt  }
0x5b: {  	_ =	shalt  }
0x5c: {  	_ =	shalt  }
0x5d: {  	_ =	shalt  }
0x5e: {  	_ =	shalt  }
0x5f: {  	_ =	shalt  }
0x60: {  	_ =	shalt  }
0x61: {  	_ =	shalt  }
0x62: {  	_ =	shalt  }
0x63: {  	_ =	shalt  }
0x64: {  	_ =	shalt  }
0x65: {  	_ =	shalt  }
0x66: {  	_ =	shalt  }
0x67: {  	_ =	shalt  }
0x68: {  	_ =	shalt  }
0x69: {  	_ =	shalt  }
0x6a: {  	_ =	shalt  }
0x6b: {  	_ =	shalt  }
0x6c: {  	_ =	shalt  }
0x6d: {  	_ =	shalt  }
0x6e: {  	_ =	shalt  }
0x6f: {  	_ =	shalt  }
0x70: {  	_ =	shalt  }
0x71: {  	_ =	shalt  }
0x72: {  	_ =	shalt  }
0x73: {  	_ =	shalt  }
0x74: {  	_ =	shalt  }
0x75: {  	_ =	shalt  }
0x76: {  	_ =	shalt  }
0x77: {  	_ =	shalt  }
0x78: {  	_ =	shalt  }
0x79: {  	_ =	shalt  }
0x7a: {  	_ =	shalt  }
0x7b: {  	_ =	shalt  }
0x7c: {  	_ =	shalt  }
0x7d: {  	_ =	shalt  }
0x7e: {  	_ =	shalt  }
0x7f: {  	_ =	shalt  }
0x80: {  	_ =	shalt  }
0x81: {  	_ =	shalt  }
0x82: {  	_ =	shalt  }
0x83: {  	_ =	shalt  }
0x84: {  	_ =	shalt  }
0x85: {  	_ =	shalt  }
0x86: {  	_ =	shalt  }
0x87: {  	_ =	shalt  }
.Lfunc_end0:
.L_simem_size_0:
called_computation_lowered:
.L_overlay_start_0:
0x88: {  	s2 =	sld [smem:$0x3FD9]  }
0x89: {  	s3 =	sld [smem:$0x3FFE];
	_ =	sdelay $0x1  }
0x8a: {  	s1 =	srdreg.scid  }
0x8b: {  	s0 =	sand.u32 $0x1, s1  }
0x8c: {  	s16 =	sshll.u32 s0, $0xA;
	s2 =	sadd.s32 s3, s2  }
0x8d: {  	s2 =	sadd.s32 s2, s16  }
0x8e: {  	[smem:$0x3FB6] =	sst s2  }
0x8f: {  	_ = 	snop  }
0x90: {  	(tm) =	ssettm $0x1  }
0x91: {  	s17 =	sld [smem:$0x3FFB];
	_ =	sdelay $0x3  }
0x92: {  	_ =	strace s17  }
0x93: {  	s2 =	sld [smem:$0x3FFC];
	_ =	sdelay $0x3  }
0x94: {  	_ =	strace s2  }
0x95: {  	s2 =	sld [smem:$0x3FFD];
	_ =	sdelay $0x3  }
0x96: {  	_ =	strace s2  }
0x97: {  	_ =	strace $0x8FFFFFFF  }
0x98: {  	s18 =	sld [smem:$0x3FDB];
	_ =	sdelay $0x1  }
0x99: {  	s19 =	simm.s32 $_scs_section_size  }
0x9a: {  	s4 =	simm.s32 $_size__tile_overlayer_lowered;
	s5 =	simm.s32 $_tile_overlayer_lowered  }
0x9b: {  	s22 =	simm.s32 $0x1BFF;
	s21 =	sshll.u32 s5, $0x1;
	s2 =	sadd.s32 s19, s18  }
0x9c: {  	s6 =	simm.s32 $0x0;
	s20 =	sshll.u32 s4, $0x1;
	s4 =	sadd.s32 s21, s2  }
0x9d: {  	[timem:s6], [sflag:s22] =	dma.local [hbm:s4], s20  }
0x9e: {  	_ =	swait.ge [sflag:s22], s20  }
0x9f: {  	s3 =	ssub.s32 $0x0, s20;
	[sflag:s22] =	ssyncset.done $0x0  }
0xa0: {  	[sflag:s22] =	ssyncadd.s32 s3;
	_ =	sdelay $0x1  }
0xa1: {  	s23 =	simm.s32 $0x1B8B  }
0xa2: {  	_ =	swait.ge [sflag:s23], $0x1  }
0xa3: {  	[sflag:s23] =	ssyncset.done $0x0  }
0xa4: {  	s25 =	simm.s32 $0x1B8E;
	s24 =	sld [smem:$0x3FFE];
	[sflag:s23] =	ssyncadd.s32 $0xFFFFFFFF  }
0xa5: {  	s26 =	simm.s32 $execute0_lowered;
	[smem:$0x3FD2] =	sst s25  }
0xa6: {  	s4 =	sshll.u32 s26, $0x1;
	_ =	strace $0x80000046;
	[dreg:$0x1] =	wrdreg $0xFFFFFFFF  }
0xa7: {  	s28 =	simm.s32 $_size_execute0_lowered;
	s2 =	sadd.s32 s2, s4;
	[dreg:$0x0] =	wrdreg $0x0  }
0xa8: {  	s4 =	sshll.u32 s28, $0x1;
	[dreg:$0x2] =	wrdreg s2  }
0xa9: {  	[dreg:$0x3] =	wrdreg s4  }
0xaa: {  	[dreg:$0x4] =	wrdreg $0xC0  }
0xab: {  	_ =	task [dreg:s6], $0x5FFFF  }
0xac: {  	[dreg:$0x1] =	wrdreg $0xFFFFFFFF  }
0xad: {  	[dreg:$0x0] =	wrdreg $0x60  }
0xae: {  	[dreg:$0x2] =	wrdreg s24  }
0xaf: {  	[dreg:$0x3] =	wrdreg $0x9  }
0xb0: {  	_ =	task.clear_ibuf [dreg:s6], $0x4FFFF;
	_ =	strace $0x90000046  }
0xb1: {  	s29 =	simm.s32 $0x9;
	_ =	strace $0x80000048  }
0xb2: {  	_ =	swait.ge [sflag:s29], $0x1  }
0xb3: {  	[sflag:s29] =	ssyncadd.s32 $0xFFFFFFFF  }
0xb4: {  	_ =	strace $0x90000048  }
0xb5: {  	_ =	sfence  }
0xb6: {  	s30 =	sld [smem:$0x0];
	_ =	sdelay $0x2  }
0xb7: {  	s31 =	sshll.u32 s1, $0xD;
	s1 =	sshrl.u32 s1, $0x2  }
0xb8: {  	s3 =	sand.u32 $0x4000, s31;
	s1 =	sadd.s32 s1, s30  }
0xb9: {  	s0 =	sor.u32 s3, s0;
	s1 =	sshll.u32 s1, $0x11  }
0xba: {  	s0 =	sor.u32 s1, s0  }
0xbb: {  	s0 =	sadd.s32 $0x8F2B, s0  }
0xbc: {  	[sflag:s0] =	ssyncadd.remote.s32 $0x1  }
0xbd: {  	_ =	sfence.sel $0xFFFF  }
0xbe: {  	[dreg:$0x0] =	wrdreg $0xFFFFFFFF;
	(pc) =	sbr.abs _section_cstart, $3  }
0xbf: {  	[dreg:$0x1] =	wrdreg $0xFFFFFFFF  }
0xc0: {  	_ =	task.clear_ibuf [dreg:s6], $0x2FFFF;
	_ =	strace $0x9FFFFFFF  }
0xc1: {  	(tm) =	ssettm $0x7FFFFFFF  }
tec
execute0_lowered:
.L_overlay_start_1:
0x0: {  	(tag) =	ssettag $0x1  }
0x1: {  	s1 =	srdreg.scid  }
0x2: {  	s0 =	stileid.u32;
	s4 =	rddreg [dreg:$0x0];
	s2 =	simm.s32 $0x0  }
0x3: {  	s11 =	simm.s32 $0x23A0;
	s12 =	simm.s32 $0x2B70;
	s13 =	simm.s32 $0x3340  }
0x4: {  	s14 =	simm.s32 $0x3B10;
	s15 =	simm.s32 $0x42E0;
	s16 =	simm.s32 $0x4AB0  }
0x5: {  	s17 =	simm.s32 $0x0;
	s5 =	sand.u32 $0x1, s1;
	s1 =	rddreg [dreg:$0x1]  }
0x6: {  	s3 =	sshll.u32 s0, $0x1;
	[smem:$0x7FF] =	sst s2;
	s7 =	smul.u32 $0x4E20, s0  }
0x7: {  	s3 =	sor.u32 s5, s3;
	_ =	strace $0x80000047;
	s10 =	smul.u32 $0x2710, s5  }
0x8: {  	s8 =	ssub.s32 $0x2, s5;
	s6 =	smul.u32 $0x280, s3;
	s3 =	sadd.s32 $0x3200, s4  }
0x9: {  	s9 =	sshrl.u32 s8, $0x1;
	s30 =	sadd.s32 s7, s4;
	s7 =	simm.s32 $0x1  }
0xa: {  	s31 =	ssub.s32 s8, s9;
	s8 =	simm.s32 $0x7D;
	s9 =	simm.s32 $0x1400  }
0xb: {  	s29 =	sadd.s32 s6, s4;
	s5 =	smax.u32 s31, $0x1;
	s6 =	sadd.s32 s10, s30  }
0xc: {  	s10 =	simm.s32 $0x1BD0;
	s4 =	sadd.s32 $0x8200, s29;
	s6 =	sadd.s32 $0xD200, s6  }
.LBB2_1:
0xd: {  	[tilespmem:s2], [sflag:$0x1] =	stream.linear.gather [hbm4b:s4+s2], $0x1400, $0x38;
	[tilespmem:$0x5280] =	vst v63  }
0xe: {  	_ =	swait.ge [sflag:s7], $0x1400  }
0xf: {  	[sflag:s7] =	ssyncset.done $0x0  }
0x10: {  	s18 =	simm.s32 $0x0;
	[sflag:s7] =	ssyncadd.s32 $0xFFFFEC00  }
0x11: {  	[tilespmem:s9], [sflag:$0x1] =	stream.indirect.gather [hbm4b:s3+s8], $0x10, s18, s8, $0xb8;
	[tilespmem:$0x5280] =	vst v63  }
0x12: {  	_ =	swait.ge [sflag:s7], $0x7D0  }
0x13: {  	[sflag:s7] =	ssyncset.done $0x0  }
0x14: {  	s24 =	simm.s32 $0x80;
	[sflag:s7] =	ssyncadd.s32 $0xFFFFF830  }
0x15: {  	[tilespmem:s10], [sflag:$0x1] =	stream.indirect.gather [hbm4b:s3+s8], $0x10, s24, s8, $0xb8;
	[tilespmem:$0x5280] =	vst v63  }
0x16: {  	_ =	swait.ge [sflag:s7], $0x7D0  }
0x17: {  	[sflag:s7] =	ssyncset.done $0x0  }
0x18: {  	s25 =	simm.s32 $0x100;
	[sflag:s7] =	ssyncadd.s32 $0xFFFFF830  }
0x19: {  	[tilespmem:s11], [sflag:$0x1] =	stream.indirect.gather [hbm4b:s3+s8], $0x10, s25, s8, $0xb8;
	[tilespmem:$0x5280] =	vst v63  }
0x1a: {  	_ =	swait.ge [sflag:s7], $0x7D0  }
0x1b: {  	[sflag:s7] =	ssyncset.done $0x0  }
0x1c: {  	s26 =	simm.s32 $0x180;
	[sflag:s7] =	ssyncadd.s32 $0xFFFFF830  }
0x1d: {  	[tilespmem:s12], [sflag:$0x1] =	stream.indirect.gather [hbm4b:s3+s8], $0x10, s26, s8, $0xb8;
	[tilespmem:$0x5280] =	vst v63  }
0x1e: {  	_ =	swait.ge [sflag:s7], $0x7D0  }
0x1f: {  	[sflag:s7] =	ssyncset.done $0x0  }
0x20: {  	s28 =	simm.s32 $0x200;
	[sflag:s7] =	ssyncadd.s32 $0xFFFFF830  }
0x21: {  	[tilespmem:s13], [sflag:$0x1] =	stream.indirect.gather [hbm4b:s3+s8], $0x10, s28, s8, $0xb8;
	[tilespmem:$0x5280] =	vst v63  }
0x22: {  	_ =	swait.ge [sflag:s7], $0x7D0  }
0x23: {  	[sflag:s7] =	ssyncset.done $0x0  }
0x24: {  	s29 =	simm.s32 $0x280;
	[sflag:s7] =	ssyncadd.s32 $0xFFFFF830  }
0x25: {  	[tilespmem:s14], [sflag:$0x1] =	stream.indirect.gather [hbm4b:s3+s8], $0x10, s29, s8, $0xb8;
	[tilespmem:$0x5280] =	vst v63  }
0x26: {  	_ =	swait.ge [sflag:s7], $0x7D0  }
0x27: {  	[sflag:s7] =	ssyncset.done $0x0  }
0x28: {  	s30 =	simm.s32 $0x300;
	[sflag:s7] =	ssyncadd.s32 $0xFFFFF830  }
0x29: {  	[tilespmem:s15], [sflag:$0x1] =	stream.indirect.gather [hbm4b:s3+s8], $0x10, s30, s8, $0xb8;
	[tilespmem:$0x5280] =	vst v63  }
0x2a: {  	_ =	swait.ge [sflag:s7], $0x7D0  }
0x2b: {  	[sflag:s7] =	ssyncset.done $0x0  }
0x2c: {  	s31 =	simm.s32 $0x380;
	[sflag:s7] =	ssyncadd.s32 $0xFFFFF830  }
0x2d: {  	[tilespmem:s16], [sflag:$0x1] =	stream.indirect.gather [hbm4b:s3+s8], $0x10, s31, s8, $0xb8;
	[tilespmem:$0x5280] =	vst v63  }
0x2e: {  	_ =	swait.ge [sflag:s7], $0x7D0  }
0x2f: {  	[sflag:s7] =	ssyncset.done $0x0  }
0x30: {  	[sflag:s7] =	ssyncadd.s32 $0xFFFFF830  }
0x31: {  	[hbm4b:s6+s2] =	stream.linear.scatter [tilespmem:s9], [sflag:$0x1], $0x3E80, $0x38;
	[tilespmem:$0x5280] =	vst v63  }
0x32: {  	s19 =	simm.s32 $0x1000;
	_ =	swait.ge [sflag:s7], $0x3E80  }
0x33: {  	s22 =	simm.s32 $0x2000;
	s18 =	sadd.s32 $0x7D0, s6;
	[sflag:s7] =	ssyncset.done $0x0  }
.LBB2_2:
0x34: {  	s21 =	sshra.s32 s19, $0x2  }
0x35: {  	[sflag:s7] =	ssyncadd.s32 $0xFFFFC180;
	s19 =	smov.u32 s22;
	s20 =	sadd.s32 $0x1000, s22  }
0x36: {  	[tilespmem:s9], [sflag:$0x1] =	stream.indirect.gather [hbm4b:s3+s8], $0x10, s21, s8, $0xb8;
	[tilespmem:$0x5280] =	vst v63  }
0x37: {  	p0 =	sne.s32 s22, $0x4000;
	_ =	swait.ge [sflag:s7], $0x7D0  }
0x38: {  	[sflag:s7] =	ssyncset.done $0x0  }
0x39: {  	s22 =	sadd.s32 $0x80, s21;
	[sflag:s7] =	ssyncadd.s32 $0xFFFFF830  }
0x3a: {  	[tilespmem:s10], [sflag:$0x1] =	stream.indirect.gather [hbm4b:s3+s8], $0x10, s22, s8, $0xb8;
	[tilespmem:$0x5280] =	vst v63  }
0x3b: {  	_ =	swait.ge [sflag:s7], $0x7D0  }
0x3c: {  	[sflag:s7] =	ssyncset.done $0x0  }
0x3d: {  	s22 =	sadd.s32 $0x100, s21;
	[sflag:s7] =	ssyncadd.s32 $0xFFFFF830  }
0x3e: {  	[tilespmem:s11], [sflag:$0x1] =	stream.indirect.gather [hbm4b:s3+s8], $0x10, s22, s8, $0xb8;
	[tilespmem:$0x5280] =	vst v63  }
0x3f: {  	_ =	swait.ge [sflag:s7], $0x7D0  }
0x40: {  	[sflag:s7] =	ssyncset.done $0x0  }
0x41: {  	s22 =	sadd.s32 $0x180, s21;
	[sflag:s7] =	ssyncadd.s32 $0xFFFFF830  }
0x42: {  	[tilespmem:s12], [sflag:$0x1] =	stream.indirect.gather [hbm4b:s3+s8], $0x10, s22, s8, $0xb8;
	[tilespmem:$0x5280] =	vst v63  }
0x43: {  	_ =	swait.ge [sflag:s7], $0x7D0  }
0x44: {  	[sflag:s7] =	ssyncset.done $0x0  }
0x45: {  	s22 =	sadd.s32 $0x200, s21;
	[sflag:s7] =	ssyncadd.s32 $0xFFFFF830  }
0x46: {  	[tilespmem:s13], [sflag:$0x1] =	stream.indirect.gather [hbm4b:s3+s8], $0x10, s22, s8, $0xb8;
	[tilespmem:$0x5280] =	vst v63  }
0x47: {  	_ =	swait.ge [sflag:s7], $0x7D0  }
0x48: {  	[sflag:s7] =	ssyncset.done $0x0  }
0x49: {  	s22 =	sadd.s32 $0x280, s21;
	[sflag:s7] =	ssyncadd.s32 $0xFFFFF830  }
0x4a: {  	[tilespmem:s14], [sflag:$0x1] =	stream.indirect.gather [hbm4b:s3+s8], $0x10, s22, s8, $0xb8;
	[tilespmem:$0x5280] =	vst v63  }
0x4b: {  	_ =	swait.ge [sflag:s7], $0x7D0  }
0x4c: {  	[sflag:s7] =	ssyncset.done $0x0  }
0x4d: {  	s22 =	sadd.s32 $0x300, s21;
	[sflag:s7] =	ssyncadd.s32 $0xFFFFF830  }
0x4e: {  	[tilespmem:s15], [sflag:$0x1] =	stream.indirect.gather [hbm4b:s3+s8], $0x10, s22, s8, $0xb8;
	[tilespmem:$0x5280] =	vst v63  }
0x4f: {  	_ =	swait.ge [sflag:s7], $0x7D0  }
0x50: {  	[sflag:s7] =	ssyncset.done $0x0  }
0x51: {  	s21 =	sadd.s32 $0x380, s21;
	[sflag:s7] =	ssyncadd.s32 $0xFFFFF830  }
0x52: {  	[tilespmem:s16], [sflag:$0x1] =	stream.indirect.gather [hbm4b:s3+s8], $0x10, s21, s8, $0xb8;
	[tilespmem:$0x5280] =	vst v63  }
0x53: {  	_ =	swait.ge [sflag:s7], $0x7D0  }
.Ltmp0:
0x54: {  	[sflag:s7] =	ssyncset.done $0x0;
	(pc) =	sbr.rel @p0 .LBB2_2-.Ltmp0, $4  }
0x55: {  	[sflag:s7] =	ssyncadd.s32 $0xFFFFF830  }
0x56: {  	[hbm4b:s18+s2] =	stream.linear.scatter [tilespmem:s9], [sflag:$0x1], $0x3E80, $0x38;
	[tilespmem:$0x5280] =	vst v63  }
0x57: {  	_ =	swait.ge [sflag:s7], $0x3E80  }
0x58: {  	s22 =	smov.u32 s20;
	s18 =	sadd.s32 $0x7D0, s18;
	[sflag:s7] =	ssyncset.done $0x0  }
0x59: {  	s19 =	sshra.s32 s19, $0x2;
	[sflag:s7] =	ssyncadd.s32 $0xFFFFC180  }
0x5a: {  	[tilespmem:s9], [sflag:$0x1] =	stream.indirect.gather [hbm4b:s3+s8], $0x10, s19, s8, $0xb8;
	[tilespmem:$0x5280] =	vst v63  }
0x5b: {  	_ =	swait.ge [sflag:s7], $0x7D0  }
0x5c: {  	[sflag:s7] =	ssyncset.done $0x0  }
0x5d: {  	s20 =	sadd.s32 $0x80, s19;
	[sflag:s7] =	ssyncadd.s32 $0xFFFFF830  }
0x5e: {  	[tilespmem:s10], [sflag:$0x1] =	stream.indirect.gather [hbm4b:s3+s8], $0x10, s20, s8, $0xb8;
	[tilespmem:$0x5280] =	vst v63  }
0x5f: {  	_ =	swait.ge [sflag:s7], $0x7D0  }
0x60: {  	[sflag:s7] =	ssyncset.done $0x0  }
0x61: {  	s26 =	sadd.s32 $0x100, s19;
	[sflag:s7] =	ssyncadd.s32 $0xFFFFF830  }
0x62: {  	[tilespmem:s11], [sflag:$0x1] =	stream.indirect.gather [hbm4b:s3+s8], $0x10, s26, s8, $0xb8;
	[tilespmem:$0x5280] =	vst v63  }
0x63: {  	_ =	swait.ge [sflag:s7], $0x7D0  }
0x64: {  	[sflag:s7] =	ssyncset.done $0x0  }
0x65: {  	s28 =	sadd.s32 $0x180, s19;
	[sflag:s7] =	ssyncadd.s32 $0xFFFFF830  }
0x66: {  	[tilespmem:s12], [sflag:$0x1] =	stream.indirect.gather [hbm4b:s3+s8], $0x10, s28, s8, $0xb8;
	[tilespmem:$0x5280] =	vst v63  }
0x67: {  	_ =	swait.ge [sflag:s7], $0x7D0  }
0x68: {  	[sflag:s7] =	ssyncset.done $0x0  }
0x69: {  	s29 =	sadd.s32 $0x200, s19;
	[sflag:s7] =	ssyncadd.s32 $0xFFFFF830  }
0x6a: {  	[tilespmem:s13], [sflag:$0x1] =	stream.indirect.gather [hbm4b:s3+s8], $0x10, s29, s8, $0xb8;
	[tilespmem:$0x5280] =	vst v63  }
0x6b: {  	_ =	swait.ge [sflag:s7], $0x7D0  }
0x6c: {  	[sflag:s7] =	ssyncset.done $0x0  }
0x6d: {  	s30 =	sadd.s32 $0x280, s19;
	[sflag:s7] =	ssyncadd.s32 $0xFFFFF830  }
0x6e: {  	[tilespmem:s14], [sflag:$0x1] =	stream.indirect.gather [hbm4b:s3+s8], $0x10, s30, s8, $0xb8;
	[tilespmem:$0x5280] =	vst v63  }
0x6f: {  	_ =	swait.ge [sflag:s7], $0x7D0  }
0x70: {  	[sflag:s7] =	ssyncset.done $0x0  }
0x71: {  	s31 =	sadd.s32 $0x300, s19;
	[sflag:s7] =	ssyncadd.s32 $0xFFFFF830  }
0x72: {  	[tilespmem:s15], [sflag:$0x1] =	stream.indirect.gather [hbm4b:s3+s8], $0x10, s31, s8, $0xb8;
	[tilespmem:$0x5280] =	vst v63  }
0x73: {  	_ =	swait.ge [sflag:s7], $0x7D0  }
0x74: {  	[sflag:s7] =	ssyncset.done $0x0  }
0x75: {  	s19 =	sadd.s32 $0x380, s19;
	[sflag:s7] =	ssyncadd.s32 $0xFFFFF830  }
0x76: {  	[tilespmem:s16], [sflag:$0x1] =	stream.indirect.gather [hbm4b:s3+s8], $0x10, s19, s8, $0xb8;
	[tilespmem:$0x5280] =	vst v63  }
0x77: {  	s17 =	sadd.s32 $0x1, s17;
	_ =	swait.ge [sflag:s7], $0x7D0  }
0x78: {  	p0 =	sne.s32 s17, s5;
	[sflag:s7] =	ssyncset.done $0x0  }
.Ltmp1:
0x79: {  	[sflag:s7] =	ssyncadd.s32 $0xFFFFF830;
	(pc) =	sbr.rel @p0 .LBB2_1-.Ltmp1, $4  }
0x7a: {  	[hbm4b:s18+s2] =	stream.linear.scatter [tilespmem:s9], [sflag:$0x1], $0x3E80, $0x38;
	[tilespmem:$0x5280] =	vst v63  }
0x7b: {  	_ =	swait.ge [sflag:s7], $0x3E80  }
0x7c: {  	[sflag:s7] =	ssyncset.done $0x0  }
0x7d: {  	[sflag:s7] =	ssyncadd.s32 $0xFFFFC180  }
0x7e: {  	_ =	sfence.sel $0x180000  }
0x7f: {  	[bflag:$0x0] =	sbarrier.arrive $0xFFFF  }
0x80: {  	p0 =	sne.s32 s0, $0x0;
	_ =	strace $0x90000047  }
0x81: {  	s0 =	sadd.s32 @!p0 $0x100000, s1;
	[bflag:$0x2] =	sbarrier.arrive $0xFFFF  }
0x82: {  	[sflag:s0] =	ssyncadd.tile.s32 @!p0 $0x1;
	_ =	shalt  }
.Lfunc_end2:
_tile_overlayer_lowered:
.L_overlay_start_2:
0x83: {  	(tag) =	ssettag $0x2  }
0x84: {  	s0 =	rddreg [dreg:$0x0];
	s2 =	stileid.u32  }
0x85: {  	s1 =	rddreg [dreg:$0x1];
	p0 =	sne.s32 s2, $0x0  }
0x86: {  	s3 =	rddreg [dreg:$0x2];
	[bflag:$0x3] =	sbarrier.arrive $0xFFFF;
	s2 =	simm.s32 @!p0 $0x1C01  }
0x87: {  	[timem:s3], [sflag:s2] =	dma.local @!p0 [hbm:s0], s1  }
0x88: {  	s0 =	simm.s32 @!p0 $0x1  }
0x89: {  	_ =	swait.ge @!p0 [sflag:s0], s1  }
0x8a: {  	s1 =	ssub.s32 @!p0 $0x0, s1;
	[sflag:s0] =	ssyncset.done @!p0 $0x0  }
0x8b: {  	[sflag:s0] =	ssyncadd.s32 @!p0 s1  }
0x8c: {  	[bflag:$0x3] =	sbarrier.arrive $0xFFFF  }
0x8d: {  	_ =	shalt  }

</sc_bundles>
